<compile_context>
chip_gen: v7x
topology: tpu7x:2x2x1
jax: 0.10.2.dev20260603
libtpu: 0.0.44.dev20260713+nightly
codegen_flags: <defaults>
</compile_context>

<pallas_src>
import jax
import jax.numpy as jnp
from jax import lax
from jax.experimental import pallas as pl
from jax.experimental.pallas import tpu as pltpu
from jax.experimental.pallas import tpu_sc as plsc

N, E, D, DE, H, O = 10000, 320000, 128, 16, 128, 128

NC, NS, L = 2, 16, 16
NW = NC * NS
EPW = E // NW
BLK = 40
NBLK = EPW // BLK
NPAD = 10240
RPT = NPAD // NS


def _xw_body(x_ref, w_ref, b_ref, o_ref):
    o_ref[...] = (
        jnp.dot(x_ref[...], w_ref[...], preferred_element_type=jnp.float32)
        + b_ref[...]
    )


def _xw(x, w1x, b1):
    return pl.pallas_call(
        _xw_body,
        grid=(10,),
        in_specs=[
            pl.BlockSpec((1000, D), lambda i: (i, 0)),
            pl.BlockSpec((D, H), lambda i: (0, 0)),
            pl.BlockSpec((1, H), lambda i: (0, 0)),
        ],
        out_specs=pl.BlockSpec((1000, H), lambda i: (i, 0)),
        out_shape=jax.ShapeDtypeStruct((N, H), jnp.float32),
    )(x, w1x, b1)


def _ew_body(a_ref, w_ref, o_ref):
    o_ref[...] = jnp.dot(a_ref[...], w_ref[...], preferred_element_type=jnp.float32)


def _ew(ea, w1e):
    return pl.pallas_call(
        _ew_body,
        grid=(40,),
        in_specs=[
            pl.BlockSpec((8000, DE), lambda i: (i, 0)),
            pl.BlockSpec((DE, H), lambda i: (0, 0)),
        ],
        out_specs=pl.BlockSpec((8000, H), lambda i: (i, 0)),
        out_shape=jax.ShapeDtypeStruct((E, H), jnp.float32),
    )(ea, w1e)


def _sc_body(xw_hbm, ew_hbm, row_hbm, col_hbm, s_out, c_out,
             rowi_v, coli_v, gath_v, ew_v, ones_v, cb_v, s_sh, cnt_sh, *sems):
    sem_row = sems[0:2]
    sem_col = sems[2:4]
    sem_ew = sems[4:6]
    sem_g = sems[6:8]

    cid = lax.axis_index("c")
    sid = lax.axis_index("s")
    wid = sid * NC + cid

    def _issue_loads(t, b):
        off = wid * EPW + t * BLK
        pltpu.async_copy(row_hbm.at[pl.ds(off, BLK)], rowi_v.at[b], sem_row[b])
        pltpu.async_copy(col_hbm.at[pl.ds(off, BLK)], coli_v.at[b], sem_col[b])
        pltpu.async_copy(ew_hbm.at[pl.ds(off, BLK)], ew_v.at[b], sem_ew[b])

    def _wait_row(b):
        pltpu.make_async_copy(row_hbm.at[pl.ds(0, BLK)], rowi_v.at[b],
                              sem_row[b]).wait()

    def _wait_col_ew(b):
        pltpu.make_async_copy(col_hbm.at[pl.ds(0, BLK)], coli_v.at[b],
                              sem_col[b]).wait()
        pltpu.make_async_copy(ew_hbm.at[pl.ds(0, BLK)], ew_v.at[b],
                              sem_ew[b]).wait()

    def _issue_gather(b):
        pltpu.async_copy(xw_hbm.at[rowi_v.at[b]], gath_v.at[b], sem_g[b])

    def _wait_gather(b):
        pltpu.make_async_copy(xw_hbm.at[rowi_v.at[b]], gath_v.at[b],
                              sem_g[b]).wait()

    def _scatters(b):
        pltpu.sync_copy(gath_v.at[b], s_sh.at[coli_v.at[b]], add=True)
        pltpu.sync_copy(ones_v, cnt_sh.at[coli_v.at[b]], add=True)

    @pl.loop(0, BLK)
    def _fillz(i):
        for j in range(H // L):
            gath_v[0, i, pl.ds(j * L, L)] = jnp.zeros((L,), jnp.float32)

    @pl.loop(0, RPT // L)
    def _fillb(i):
        cb_v[pl.ds(i * L, L)] = jnp.zeros((L,), jnp.float32)

    ones_v[pl.ds(0, L)] = jnp.full((L,), 1.0, jnp.float32)
    ones_v[pl.ds(L, L)] = jnp.full((L,), 1.0, jnp.float32)
    ones_v[pl.ds(BLK - L, L)] = jnp.full((L,), 1.0, jnp.float32)

    @pl.loop(0, RPT // BLK)
    def _zero(t):
        pltpu.sync_copy(gath_v.at[0], s_sh.at[pl.ds(sid * RPT + t * BLK, BLK)])

    pltpu.sync_copy(cb_v, cnt_sh.at[pl.ds(sid * RPT, RPT)])

    plsc.subcore_barrier()

    _issue_loads(0, 0)
    _wait_row(0)
    _issue_gather(0)

    @pl.loop(0, NBLK // 2)
    def _step(s):
        for b in (0, 1):
            t = s * 2 + b
            _wait_col_ew(b)

            @pl.when(t + 1 < NBLK)
            def _():
                _issue_loads(t + 1, b ^ 1)

            _wait_gather(b)

            @pl.when(t + 1 < NBLK)
            def _():
                _wait_row(b ^ 1)
                _issue_gather(b ^ 1)

            @pl.loop(0, BLK)
            def _row(i):
                for j in range(H // L):
                    g = gath_v[b, i, pl.ds(j * L, L)]
                    e = ew_v[b, i, pl.ds(j * L, L)]
                    gath_v[b, i, pl.ds(j * L, L)] = jnp.maximum(g + e, 0.0)

            _scatters(b)

    plsc.subcore_barrier()

    obase = cid * NPAD + sid * RPT

    @pl.loop(0, RPT // BLK)
    def _wout(t):
        pltpu.sync_copy(s_sh.at[pl.ds(sid * RPT + t * BLK, BLK)], gath_v.at[0])
        pltpu.sync_copy(gath_v.at[0], s_out.at[pl.ds(obase + t * BLK, BLK)])

    pltpu.sync_copy(cnt_sh.at[pl.ds(sid * RPT, RPT)], cb_v)
    pltpu.sync_copy(cb_v, c_out.at[pl.ds(obase, RPT)])


def _sc_aggregate(xw, ew, row, col):
    mesh = plsc.VectorSubcoreMesh(core_axis_name="c", subcore_axis_name="s")
    return pl.kernel(
        _sc_body,
        out_type=(
            jax.ShapeDtypeStruct((NC * NPAD, H), jnp.float32),
            jax.ShapeDtypeStruct((NC * NPAD,), jnp.float32),
        ),
        mesh=mesh,
        scratch_types=[
            pltpu.VMEM((2, BLK), jnp.int32),
            pltpu.VMEM((2, BLK), jnp.int32),
            pltpu.VMEM((2, BLK, H), jnp.float32),
            pltpu.VMEM((2, BLK, H), jnp.float32),
            pltpu.VMEM((BLK,), jnp.float32),
            pltpu.VMEM((RPT,), jnp.float32),
            pltpu.VMEM_SHARED((NPAD, H), jnp.float32),
            pltpu.VMEM_SHARED((NPAD,), jnp.float32),
        ] + [pltpu.SemaphoreType.DMA] * 8,
    )(xw, ew, row, col)


def _out_body(s_ref, c_ref, w_ref, b_ref, o_ref):
    s = s_ref[0] + s_ref[1]
    cnt = (c_ref[0] + c_ref[1])[:, None]
    m = jnp.dot(s, w_ref[...], preferred_element_type=jnp.float32)
    o_ref[...] = m / jnp.maximum(cnt, 1.0) + b_ref[...] * (cnt > 0.0)


def _final(s_parts, c_parts, w2, b2):
    return pl.pallas_call(
        _out_body,
        grid=(10,),
        in_specs=[
            pl.BlockSpec((NC, 1024, H), lambda i: (0, i, 0)),
            pl.BlockSpec((NC, 1024), lambda i: (0, i)),
            pl.BlockSpec((H, O), lambda i: (0, 0)),
            pl.BlockSpec((1, O), lambda i: (0, 0)),
        ],
        out_specs=pl.BlockSpec((1024, O), lambda i: (i, 0)),
        out_shape=jax.ShapeDtypeStruct((NPAD, O), jnp.float32),
    )(s_parts, c_parts, w2, b2)


def kernel(x, edge_index, edge_attr, W1, b1, W2, b2):
    row = edge_index[0]
    col = edge_index[1]
    xw = _xw(x, W1[:D], b1.reshape(1, H))
    ew = _ew(edge_attr, W1[D:])
    s_parts, c_parts = _sc_aggregate(xw, ew, row, col)
    s_parts = s_parts.reshape(NC, NPAD, H)
    c_parts = c_parts.reshape(NC, NPAD)
    out = _final(s_parts, c_parts, W2, b2.reshape(1, O))
    return out[:N]

# --- scband reference (transcript-rebuilt; emitter-appended) ---
"""Pipeline reference for scband-node-model-62766652064044 (READ-ONLY COPY).

The authoritative reference and input builder live on the scoring server;
editing this copy changes nothing except your own understanding.
"""

import jax, jax.numpy as jnp
import numpy as np

N, E, D, DE, H, O = 10000, 320000, 128, 16, 128, 128

def setup_inputs(seed: int = 0) -> dict:
    key = jax.random.key(seed)
    ks = jax.random.split(key, 8)
    x = jax.random.normal(ks[0], (N, D), dtype=jnp.float32)
    edge_index = jax.random.randint(ks[1], (2, E), 0, N, dtype=jnp.int32)
    edge_attr = jax.random.normal(ks[2], (E, DE), dtype=jnp.float32)
    fan1 = D + DE
    W1 = jax.random.normal(ks[3], (fan1, H), dtype=jnp.float32) * (1.0 / np.sqrt(fan1))
    b1 = jnp.zeros((H,), dtype=jnp.float32)
    W2 = jax.random.normal(ks[4], (H, O), dtype=jnp.float32) * (1.0 / np.sqrt(H))
    b2 = jnp.zeros((O,), dtype=jnp.float32)
    return {"x": x, "edge_index": edge_index, "edge_attr": edge_attr, "W1": W1, "b1": b1, "W2": W2, "b2": b2}

def reference(x, edge_index, edge_attr, W1, b1, W2, b2):
    row = edge_index[0]
    col = edge_index[1]
    # gather source-node features and concat with edge features
    out = jnp.concatenate([jnp.take(x, row, axis=0), edge_attr], axis=1)
    # MLP with one hidden layer (Linear -> ReLU -> Linear)
    h = jax.nn.relu(out @ W1 + b1)
    out = h @ W2 + b2
    # scatter_mean over destination nodes (dim_size = N)
    summed = jax.ops.segment_sum(out, col, num_segments=x.shape[0])
    cnt = jax.ops.segment_sum(jnp.ones((col.shape[0], 1), dtype=jnp.float32), col, num_segments=x.shape[0])
    return summed / jnp.clip(cnt, 1.0, None)

if __name__ == "__main__":
    import jax
    _d = setup_inputs()
    print(jax.jit(kernel)(*tuple(_d.values())))

</pallas_src>

<mosaic_0001>
#map = affine_map<(d0, d1) -> (0, 0)>
#map1 = affine_map<(d0, d1) -> (0)>
module attributes {stable_mosaic.version = 14 : i64} {
  func.func @_sc_body(%arg0: i32, %arg1: i32, %arg2: memref<10000x128xf32, #tpu.memory_space<hbm>>, %arg3: memref<320000x128xf32, #tpu.memory_space<hbm>>, %arg4: memref<320000xi32, #tpu.memory_space<hbm>>, %arg5: memref<320000xi32, #tpu.memory_space<hbm>>, %arg6: memref<20480x128xf32, #tpu.memory_space<hbm>>, %arg7: memref<20480xf32, #tpu.memory_space<hbm>>, %arg8: memref<2x40xi32, #tpu.memory_space<vmem>>, %arg9: memref<2x40xi32, #tpu.memory_space<vmem>>, %arg10: memref<2x40x128xf32, #tpu.memory_space<vmem>>, %arg11: memref<2x40x128xf32, #tpu.memory_space<vmem>>, %arg12: memref<40xf32, #tpu.memory_space<vmem>>, %arg13: memref<640xf32, #tpu.memory_space<vmem>>, %arg14: memref<10240x128xf32, #tpu.memory_space<vmem_shared>>, %arg15: memref<10240xf32, #tpu.memory_space<vmem_shared>>, %arg16: memref<!tpu.dma_semaphore, #tpu.memory_space<semaphore_mem>>, %arg17: memref<!tpu.dma_semaphore, #tpu.memory_space<semaphore_mem>>, %arg18: memref<!tpu.dma_semaphore, #tpu.memory_space<semaphore_mem>>, %arg19: memref<!tpu.dma_semaphore, #tpu.memory_space<semaphore_mem>>, %arg20: memref<!tpu.dma_semaphore, #tpu.memory_space<semaphore_mem>>, %arg21: memref<!tpu.dma_semaphore, #tpu.memory_space<semaphore_mem>>, %arg22: memref<!tpu.dma_semaphore, #tpu.memory_space<semaphore_mem>>, %arg23: memref<!tpu.dma_semaphore, #tpu.memory_space<semaphore_mem>>) attributes {dimension_semantics = [#tpu.dimension_semantics<core_parallel>, #tpu.dimension_semantics<subcore_parallel>], iteration_bounds = array<i64: 2, 16>, scalar_prefetch = 0 : i64, scratch_operands = 16 : i64, tpu.core_type = #tpu.core_type<sc_vector_subcore>, window_params = [{transform_indices = #map}, {transform_indices = #map}, {transform_indices = #map1}, {transform_indices = #map1}, {transform_indices = #map}, {transform_indices = #map1}]} {
    %mul3A = arith.constant 2 : i32
    %mul3A_0 = arith.muli %arg1, %mul3A : i32
    %add3A = arith.addi %mul3A_0, %arg0 : i32
    %scan3A = arith.constant 0 : i32
    %scan3A_1 = arith.constant 40 : i32
    %scan3A_2 = arith.addi %scan3A, %scan3A_1 : i32
    %scan3A_3 = arith.constant 1 : i32
    scf.for %scan3A_107 = %scan3A to %scan3A_2 step %scan3A_3  : i32 {
      %mul3A_108 = arith.constant 1 : i32
      %mul3A_109 = arith.muli %scan3A_107, %mul3A_108 : i32
      %add3A_110 = arith.constant 0 : i32
      %add3A_111 = arith.addi %add3A_110, %mul3A_109 : i32
      %broadcast_in_dim3A_112 = arith.constant 0.000000e+00 : f32
      %broadcast_in_dim3A_113 = vector.broadcast %broadcast_in_dim3A_112 : f32 to vector<16xf32>
      %swap3A_114 = arith.constant 0 : i32
      %swap3A_115 = arith.index_cast %swap3A_114 : i32 to index
      %swap3A_116 = arith.index_cast %add3A_111 : i32 to index
      %swap3A_117 = arith.constant 0 : index
      %swap3A_118 = tpu.vector_load %arg10[%swap3A_115, %swap3A_116, %swap3A_117] {strides = array<i32>} : memref<2x40x128xf32, #tpu.memory_space<vmem>>, vector<1x1x16xf32>,
      %swap3A_119 = vector.shape_cast %swap3A_118 : vector<1x1x16xf32> to vector<16xf32>
      %swap3A_120 = vector.shape_cast %broadcast_in_dim3A_113 : vector<16xf32> to vector<1x1x16xf32>
      tpu.vector_store %arg10[%swap3A_115, %swap3A_116, %swap3A_117], %swap3A_120 {strides = array<i32>} : memref<2x40x128xf32, #tpu.memory_space<vmem>>, vector<1x1x16xf32>,
      %broadcast_in_dim3A_121 = arith.constant 0.000000e+00 : f32
      %broadcast_in_dim3A_122 = vector.broadcast %broadcast_in_dim3A_121 : f32 to vector<16xf32>
      %swap3A_123 = arith.constant 0 : i32
      %swap3A_124 = arith.index_cast %swap3A_123 : i32 to index
      %swap3A_125 = arith.index_cast %add3A_111 : i32 to index
      %swap3A_126 = arith.constant 16 : index
      %swap3A_127 = tpu.vector_load %arg10[%swap3A_124, %swap3A_125, %swap3A_126] {strides = array<i32>} : memref<2x40x128xf32, #tpu.memory_space<vmem>>, vector<1x1x16xf32>,
      %swap3A_128 = vector.shape_cast %swap3A_127 : vector<1x1x16xf32> to vector<16xf32>
      %swap3A_129 = vector.shape_cast %broadcast_in_dim3A_122 : vector<16xf32> to vector<1x1x16xf32>
      tpu.vector_store %arg10[%swap3A_124, %swap3A_125, %swap3A_126], %swap3A_129 {strides = array<i32>} : memref<2x40x128xf32, #tpu.memory_space<vmem>>, vector<1x1x16xf32>,
      %broadcast_in_dim3A_130 = arith.constant 0.000000e+00 : f32
      %broadcast_in_dim3A_131 = vector.broadcast %broadcast_in_dim3A_130 : f32 to vector<16xf32>
      %swap3A_132 = arith.constant 0 : i32
      %swap3A_133 = arith.index_cast %swap3A_132 : i32 to index
      %swap3A_134 = arith.index_cast %add3A_111 : i32 to index
      %swap3A_135 = arith.constant 32 : index
      %swap3A_136 = tpu.vector_load %arg10[%swap3A_133, %swap3A_134, %swap3A_135] {strides = array<i32>} : memref<2x40x128xf32, #tpu.memory_space<vmem>>, vector<1x1x16xf32>,
      %swap3A_137 = vector.shape_cast %swap3A_136 : vector<1x1x16xf32> to vector<16xf32>
      %swap3A_138 = vector.shape_cast %broadcast_in_dim3A_131 : vector<16xf32> to vector<1x1x16xf32>
      tpu.vector_store %arg10[%swap3A_133, %swap3A_134, %swap3A_135], %swap3A_138 {strides = array<i32>} : memref<2x40x128xf32, #tpu.memory_space<vmem>>, vector<1x1x16xf32>,
      %broadcast_in_dim3A_139 = arith.constant 0.000000e+00 : f32
      %broadcast_in_dim3A_140 = vector.broadcast %broadcast_in_dim3A_139 : f32 to vector<16xf32>
      %swap3A_141 = arith.constant 0 : i32
      %swap3A_142 = arith.index_cast %swap3A_141 : i32 to index
      %swap3A_143 = arith.index_cast %add3A_111 : i32 to index
      %swap3A_144 = arith.constant 48 : index
      %swap3A_145 = tpu.vector_load %arg10[%swap3A_142, %swap3A_143, %swap3A_144] {strides = array<i32>} : memref<2x40x128xf32, #tpu.memory_space<vmem>>, vector<1x1x16xf32>,
      %swap3A_146 = vector.shape_cast %swap3A_145 : vector<1x1x16xf32> to vector<16xf32>
      %swap3A_147 = vector.shape_cast %broadcast_in_dim3A_140 : vector<16xf32> to vector<1x1x16xf32>
      tpu.vector_store %arg10[%swap3A_142, %swap3A_143, %swap3A_144], %swap3A_147 {strides = array<i32>} : memref<2x40x128xf32, #tpu.memory_space<vmem>>, vector<1x1x16xf32>,
      %broadcast_in_dim3A_148 = arith.constant 0.000000e+00 : f32
      %broadcast_in_dim3A_149 = vector.broadcast %broadcast_in_dim3A_148 : f32 to vector<16xf32>
      %swap3A_150 = arith.constant 0 : i32
      %swap3A_151 = arith.index_cast %swap3A_150 : i32 to index
      %swap3A_152 = arith.index_cast %add3A_111 : i32 to index
      %swap3A_153 = arith.constant 64 : index
      %swap3A_154 = tpu.vector_load %arg10[%swap3A_151, %swap3A_152, %swap3A_153] {strides = array<i32>} : memref<2x40x128xf32, #tpu.memory_space<vmem>>, vector<1x1x16xf32>,
      %swap3A_155 = vector.shape_cast %swap3A_154 : vector<1x1x16xf32> to vector<16xf32>
      %swap3A_156 = vector.shape_cast %broadcast_in_dim3A_149 : vector<16xf32> to vector<1x1x16xf32>
      tpu.vector_store %arg10[%swap3A_151, %swap3A_152, %swap3A_153], %swap3A_156 {strides = array<i32>} : memref<2x40x128xf32, #tpu.memory_space<vmem>>, vector<1x1x16xf32>,
      %broadcast_in_dim3A_157 = arith.constant 0.000000e+00 : f32
      %broadcast_in_dim3A_158 = vector.broadcast %broadcast_in_dim3A_157 : f32 to vector<16xf32>
      %swap3A_159 = arith.constant 0 : i32
      %swap3A_160 = arith.index_cast %swap3A_159 : i32 to index
      %swap3A_161 = arith.index_cast %add3A_111 : i32 to index
      %swap3A_162 = arith.constant 80 : index
      %swap3A_163 = tpu.vector_load %arg10[%swap3A_160, %swap3A_161, %swap3A_162] {strides = array<i32>} : memref<2x40x128xf32, #tpu.memory_space<vmem>>, vector<1x1x16xf32>,
      %swap3A_164 = vector.shape_cast %swap3A_163 : vector<1x1x16xf32> to vector<16xf32>
      %swap3A_165 = vector.shape_cast %broadcast_in_dim3A_158 : vector<16xf32> to vector<1x1x16xf32>
      tpu.vector_store %arg10[%swap3A_160, %swap3A_161, %swap3A_162], %swap3A_165 {strides = array<i32>} : memref<2x40x128xf32, #tpu.memory_space<vmem>>, vector<1x1x16xf32>,
      %broadcast_in_dim3A_166 = arith.constant 0.000000e+00 : f32
      %broadcast_in_dim3A_167 = vector.broadcast %broadcast_in_dim3A_166 : f32 to vector<16xf32>
      %swap3A_168 = arith.constant 0 : i32
      %swap3A_169 = arith.index_cast %swap3A_168 : i32 to index
      %swap3A_170 = arith.index_cast %add3A_111 : i32 to index
      %swap3A_171 = arith.constant 96 : index
      %swap3A_172 = tpu.vector_load %arg10[%swap3A_169, %swap3A_170, %swap3A_171] {strides = array<i32>} : memref<2x40x128xf32, #tpu.memory_space<vmem>>, vector<1x1x16xf32>,
      %swap3A_173 = vector.shape_cast %swap3A_172 : vector<1x1x16xf32> to vector<16xf32>
      %swap3A_174 = vector.shape_cast %broadcast_in_dim3A_167 : vector<16xf32> to vector<1x1x16xf32>
      tpu.vector_store %arg10[%swap3A_169, %swap3A_170, %swap3A_171], %swap3A_174 {strides = array<i32>} : memref<2x40x128xf32, #tpu.memory_space<vmem>>, vector<1x1x16xf32>,
      %broadcast_in_dim3A_175 = arith.constant 0.000000e+00 : f32
      %broadcast_in_dim3A_176 = vector.broadcast %broadcast_in_dim3A_175 : f32 to vector<16xf32>
      %swap3A_177 = arith.constant 0 : i32
      %swap3A_178 = arith.index_cast %swap3A_177 : i32 to index
      %swap3A_179 = arith.index_cast %add3A_111 : i32 to index
      %swap3A_180 = arith.constant 112 : index
      %swap3A_181 = tpu.vector_load %arg10[%swap3A_178, %swap3A_179, %swap3A_180] {strides = array<i32>} : memref<2x40x128xf32, #tpu.memory_space<vmem>>, vector<1x1x16xf32>,
      %swap3A_182 = vector.shape_cast %swap3A_181 : vector<1x1x16xf32> to vector<16xf32>
      %swap3A_183 = vector.shape_cast %broadcast_in_dim3A_176 : vector<16xf32> to vector<1x1x16xf32>
      tpu.vector_store %arg10[%swap3A_178, %swap3A_179, %swap3A_180], %swap3A_183 {strides = array<i32>} : memref<2x40x128xf32, #tpu.memory_space<vmem>>, vector<1x1x16xf32>,
    }
    %scan3A_4 = arith.constant 40 : i32
    %scan3A_5 = arith.constant 0 : i32
    %scan3A_6 = arith.constant 40 : i32
    %scan3A_7 = arith.addi %scan3A_5, %scan3A_6 : i32
    %scan3A_8 = arith.constant 1 : i32
    scf.for %scan3A_107 = %scan3A_5 to %scan3A_7 step %scan3A_8  : i32 {
      %mul3A_108 = arith.constant 1 : i32
      %mul3A_109 = arith.muli %scan3A_107, %mul3A_108 : i32
      %add3A_110 = arith.constant 0 : i32
      %add3A_111 = arith.addi %add3A_110, %mul3A_109 : i32
      %broadcast_in_dim3A_112 = arith.constant 0.000000e+00 : f32
      %broadcast_in_dim3A_113 = vector.broadcast %broadcast_in_dim3A_112 : f32 to vector<16xf32>
      %mul3A_114 = arith.constant 16 : i32
      %mul3A_115 = arith.muli %add3A_111, %mul3A_114 : i32
      %swap3A_116 = arith.index_cast %mul3A_115 : i32 to index
      %swap3A_117 = tpu.vector_load %arg13[%swap3A_116] {strides = array<i32>} : memref<640xf32, #tpu.memory_space<vmem>>, vector<16xf32>,
      %swap3A_118 = vector.shape_cast %swap3A_117 : vector<16xf32> to vector<16xf32>
      %swap3A_119 = vector.shape_cast %broadcast_in_dim3A_113 : vector<16xf32> to vector<16xf32>
      tpu.vector_store %arg13[%swap3A_116], %swap3A_119 {strides = array<i32>} : memref<640xf32, #tpu.memory_space<vmem>>, vector<16xf32>,
    }
    %scan3A_9 = arith.constant 40 : i32
    %broadcast_in_dim3A = arith.constant 1.000000e+00 : f32
    %broadcast_in_dim3A_10 = vector.broadcast %broadcast_in_dim3A : f32 to vector<16xf32>
    %swap3A = arith.constant 0 : index
    %swap3A_11 = tpu.vector_load %arg12[%swap3A] {strides = array<i32>} : memref<40xf32, #tpu.memory_space<vmem>>, vector<16xf32>,
    %swap3A_12 = vector.shape_cast %swap3A_11 : vector<16xf32> to vector<16xf32>
    %swap3A_13 = vector.shape_cast %broadcast_in_dim3A_10 : vector<16xf32> to vector<16xf32>
    tpu.vector_store %arg12[%swap3A], %swap3A_13 {strides = array<i32>} : memref<40xf32, #tpu.memory_space<vmem>>, vector<16xf32>,
    %broadcast_in_dim3A_14 = arith.constant 1.000000e+00 : f32
    %broadcast_in_dim3A_15 = vector.broadcast %broadcast_in_dim3A_14 : f32 to vector<16xf32>
    %swap3A_16 = arith.constant 16 : index
    %swap3A_17 = tpu.vector_load %arg12[%swap3A_16] {strides = array<i32>} : memref<40xf32, #tpu.memory_space<vmem>>, vector<16xf32>,
    %swap3A_18 = vector.shape_cast %swap3A_17 : vector<16xf32> to vector<16xf32>
    %swap3A_19 = vector.shape_cast %broadcast_in_dim3A_15 : vector<16xf32> to vector<16xf32>
    tpu.vector_store %arg12[%swap3A_16], %swap3A_19 {strides = array<i32>} : memref<40xf32, #tpu.memory_space<vmem>>, vector<16xf32>,
    %broadcast_in_dim3A_20 = arith.constant 1.000000e+00 : f32
    %broadcast_in_dim3A_21 = vector.broadcast %broadcast_in_dim3A_20 : f32 to vector<16xf32>
    %swap3A_22 = arith.constant 24 : index
    %swap3A_23 = tpu.vector_load %arg12[%swap3A_22] {strides = array<i32>} : memref<40xf32, #tpu.memory_space<vmem>>, vector<16xf32>,
    %swap3A_24 = vector.shape_cast %swap3A_23 : vector<16xf32> to vector<16xf32>
    %swap3A_25 = vector.shape_cast %broadcast_in_dim3A_21 : vector<16xf32> to vector<16xf32>
    tpu.vector_store %arg12[%swap3A_22], %swap3A_25 {strides = array<i32>} : memref<40xf32, #tpu.memory_space<vmem>>, vector<16xf32>,
    %scan3A_26 = arith.constant 0 : i32
    %scan3A_27 = arith.constant 16 : i32
    %scan3A_28 = arith.addi %scan3A_26, %scan3A_27 : i32
    %scan3A_29 = arith.constant 1 : i32
    scf.for %scan3A_107 = %scan3A_26 to %scan3A_28 step %scan3A_29  : i32 {
      %mul3A_108 = arith.constant 1 : i32
      %mul3A_109 = arith.muli %scan3A_107, %mul3A_108 : i32
      %add3A_110 = arith.constant 0 : i32
      %add3A_111 = arith.addi %add3A_110, %mul3A_109 : i32
      %mul3A_112 = arith.constant 640 : i32
      %mul3A_113 = arith.muli %arg1, %mul3A_112 : i32
      %mul3A_114 = arith.constant 40 : i32
      %mul3A_115 = arith.muli %add3A_111, %mul3A_114 : i32
      %add3A_116 = arith.addi %mul3A_113, %mul3A_115 : i32
      %run_scoped3A = arith.constant 0 : i32
      "tpu.region"() ({
        %run_scoped3A_117 = tpu.sem_alloc : memref<!tpu.dma_semaphore, #tpu.memory_space<semaphore_mem>>
        %dma_start3A_118 = arith.constant 0 : i32
        %dma_start3A_119 = arith.constant 0 : i32
        %dma_start3A_120 = tpu.memref_slice %arg10[%run_scoped3A, %dma_start3A_118, %dma_start3A_119] : memref<2x40x128xf32, #tpu.memory_space<vmem>> -> memref<1x40x128xf32, #tpu.memory_space<vmem>>
        %dma_start3A_121 = tpu.memref_squeeze %dma_start3A_120 : memref<1x40x128xf32, #tpu.memory_space<vmem>> -> memref<40x128xf32, #tpu.memory_space<vmem>>
        %dma_start3A_122 = arith.constant 0 : i32
        %dma_start3A_123 = tpu.memref_slice %arg14[%add3A_116, %dma_start3A_122] : memref<10240x128xf32, #tpu.memory_space<vmem_shared>> -> memref<40x128xf32, #tpu.memory_space<vmem_shared>>
        %dma_start3A_124 = arith.constant 0 : i32
        %dma_start3A_125 = tpu.memref_slice %arg14[%add3A_116, %dma_start3A_124] : memref<10240x128xf32, #tpu.memory_space<vmem_shared>> -> memref<40x128xf32, #tpu.memory_space<vmem_shared>>
        %dma_start3A_126 = arith.constant 0 : i32
        %dma_start3A_127 = arith.constant 0 : i32
        %dma_start3A_128 = tpu.memref_slice %arg10[%run_scoped3A, %dma_start3A_126, %dma_start3A_127] : memref<2x40x128xf32, #tpu.memory_space<vmem>> -> memref<1x40x128xf32, #tpu.memory_space<vmem>>
        %dma_start3A_129 = tpu.memref_squeeze %dma_start3A_128 : memref<1x40x128xf32, #tpu.memory_space<vmem>> -> memref<40x128xf32, #tpu.memory_space<vmem>>
        tpu.enqueue_dma source(%dma_start3A_129 : memref<40x128xf32, #tpu.memory_space<vmem>>) target(%dma_start3A_125 : memref<40x128xf32, #tpu.memory_space<vmem_shared>>) target_semaphore(%run_scoped3A_117 : memref<!tpu.dma_semaphore, #tpu.memory_space<semaphore_mem>>)
        %dma_wait3A_130 = arith.constant 0 : i32
        %dma_wait3A_131 = arith.constant 0 : i32
        %dma_wait3A_132 = tpu.memref_slice %arg10[%run_scoped3A, %dma_wait3A_130, %dma_wait3A_131] : memref<2x40x128xf32, #tpu.memory_space<vmem>> -> memref<1x40x128xf32, #tpu.memory_space<vmem>>
        %dma_wait3A_133 = tpu.memref_squeeze %dma_wait3A_132 : memref<1x40x128xf32, #tpu.memory_space<vmem>> -> memref<40x128xf32, #tpu.memory_space<vmem>>
        %dma_wait3A_134 = arith.constant 0 : i32
        %dma_wait3A_135 = tpu.memref_slice %arg14[%add3A_116, %dma_wait3A_134] : memref<10240x128xf32, #tpu.memory_space<vmem_shared>> -> memref<40x128xf32, #tpu.memory_space<vmem_shared>>
        %dma_wait3A_136 = arith.constant 0 : i32
        %dma_wait3A_137 = tpu.memref_slice %arg14[%add3A_116, %dma_wait3A_136] : memref<10240x128xf32, #tpu.memory_space<vmem_shared>> -> memref<40x128xf32, #tpu.memory_space<vmem_shared>>
        %dma_wait3A_138 = arith.constant 0 : i32
        %dma_wait3A_139 = arith.constant 0 : i32
        %dma_wait3A_140 = tpu.memref_slice %arg10[%run_scoped3A, %dma_wait3A_138, %dma_wait3A_139] : memref<2x40x128xf32, #tpu.memory_space<vmem>> -> memref<1x40x128xf32, #tpu.memory_space<vmem>>
        %dma_wait3A_141 = tpu.memref_squeeze %dma_wait3A_140 : memref<1x40x128xf32, #tpu.memory_space<vmem>> -> memref<40x128xf32, #tpu.memory_space<vmem>>
        tpu.wait_dma2 semaphore(%run_scoped3A_117 : memref<!tpu.dma_semaphore, #tpu.memory_space<semaphore_mem>>) src(%dma_wait3A_141 : memref<40x128xf32, #tpu.memory_space<vmem>>) dst(%dma_wait3A_137 : memref<40x128xf32, #tpu.memory_space<vmem_shared>>)
        tpu.yield
      }) : () -> ()
    }
    %scan3A_30 = arith.constant 16 : i32
    %mul3A_31 = arith.constant 640 : i32
    %mul3A_32 = arith.muli %arg1, %mul3A_31 : i32
    "tpu.region"() ({
      %run_scoped3A = tpu.sem_alloc : memref<!tpu.dma_semaphore, #tpu.memory_space<semaphore_mem>>
      %dma_start3A_107 = tpu.memref_slice %arg15[%mul3A_32] : memref<10240xf32, #tpu.memory_space<vmem_shared>> -> memref<640xf32, #tpu.memory_space<vmem_shared>>
      %dma_start3A_108 = tpu.memref_slice %arg15[%mul3A_32] : memref<10240xf32, #tpu.memory_space<vmem_shared>> -> memref<640xf32, #tpu.memory_space<vmem_shared>>
      tpu.enqueue_dma source(%arg13 : memref<640xf32, #tpu.memory_space<vmem>>) target(%dma_start3A_108 : memref<640xf32, #tpu.memory_space<vmem_shared>>) target_semaphore(%run_scoped3A : memref<!tpu.dma_semaphore, #tpu.memory_space<semaphore_mem>>)
      %dma_wait3A_109 = tpu.memref_slice %arg15[%mul3A_32] : memref<10240xf32, #tpu.memory_space<vmem_shared>> -> memref<640xf32, #tpu.memory_space<vmem_shared>>
      %dma_wait3A_110 = tpu.memref_slice %arg15[%mul3A_32] : memref<10240xf32, #tpu.memory_space<vmem_shared>> -> memref<640xf32, #tpu.memory_space<vmem_shared>>
      tpu.wait_dma2 semaphore(%run_scoped3A : memref<!tpu.dma_semaphore, #tpu.memory_space<semaphore_mem>>) src(%arg13 : memref<640xf32, #tpu.memory_space<vmem>>) dst(%dma_wait3A_110 : memref<640xf32, #tpu.memory_space<vmem_shared>>)
      tpu.yield
    }) : () -> ()
    %barrier3A = arith.constant 0 : index
    tpu.barrier barrier_id(%barrier3A)
    %mul3A_33 = arith.constant 10000 : i32
    %mul3A_34 = arith.muli %add3A, %mul3A_33 : i32
    %add3A_35 = arith.constant 0 : i32
    %add3A_36 = arith.addi %mul3A_34, %add3A_35 : i32
    %dma_start3A = arith.constant 0 : i32
    %dma_start3A_37 = arith.constant 0 : i32
    %dma_start3A_38 = tpu.memref_slice %arg8[%dma_start3A, %dma_start3A_37] : memref<2x40xi32, #tpu.memory_space<vmem>> -> memref<1x40xi32, #tpu.memory_space<vmem>>
    %dma_start3A_39 = tpu.memref_squeeze %dma_start3A_38 : memref<1x40xi32, #tpu.memory_space<vmem>> -> memref<40xi32, #tpu.memory_space<vmem>>
    %dma_start3A_40 = tpu.memref_slice %arg4[%add3A_36] : memref<320000xi32, #tpu.memory_space<hbm>> -> memref<40xi32, #tpu.memory_space<hbm>>
    %dma_start3A_41 = arith.constant 0 : i32
    %dma_start3A_42 = tpu.memref_slice %arg8[%dma_start3A, %dma_start3A_41] : memref<2x40xi32, #tpu.memory_space<vmem>> -> memref<1x40xi32, #tpu.memory_space<vmem>>
    %dma_start3A_43 = tpu.memref_squeeze %dma_start3A_42 : memref<1x40xi32, #tpu.memory_space<vmem>> -> memref<40xi32, #tpu.memory_space<vmem>>
    %dma_start3A_44 = tpu.memref_slice %arg4[%add3A_36] : memref<320000xi32, #tpu.memory_space<hbm>> -> memref<40xi32, #tpu.memory_space<hbm>>
    tpu.enqueue_dma source(%dma_start3A_44 : memref<40xi32, #tpu.memory_space<hbm>>) target(%dma_start3A_43 : memref<40xi32, #tpu.memory_space<vmem>>) target_semaphore(%arg16 : memref<!tpu.dma_semaphore, #tpu.memory_space<semaphore_mem>>)
    %dma_start3A_45 = arith.constant 0 : i32
    %dma_start3A_46 = arith.constant 0 : i32
    %dma_start3A_47 = tpu.memref_slice %arg9[%dma_start3A_45, %dma_start3A_46] : memref<2x40xi32, #tpu.memory_space<vmem>> -> memref<1x40xi32, #tpu.memory_space<vmem>>
    %dma_start3A_48 = tpu.memref_squeeze %dma_start3A_47 : memref<1x40xi32, #tpu.memory_space<vmem>> -> memref<40xi32, #tpu.memory_space<vmem>>
    %dma_start3A_49 = tpu.memref_slice %arg5[%add3A_36] : memref<320000xi32, #tpu.memory_space<hbm>> -> memref<40xi32, #tpu.memory_space<hbm>>
    %dma_start3A_50 = arith.constant 0 : i32
    %dma_start3A_51 = tpu.memref_slice %arg9[%dma_start3A_45, %dma_start3A_50] : memref<2x40xi32, #tpu.memory_space<vmem>> -> memref<1x40xi32, #tpu.memory_space<vmem>>
    %dma_start3A_52 = tpu.memref_squeeze %dma_start3A_51 : memref<1x40xi32, #tpu.memory_space<vmem>> -> memref<40xi32, #tpu.memory_space<vmem>>
    %dma_start3A_53 = tpu.memref_slice %arg5[%add3A_36] : memref<320000xi32, #tpu.memory_space<hbm>> -> memref<40xi32, #tpu.memory_space<hbm>>
    tpu.enqueue_dma source(%dma_start3A_53 : memref<40xi32, #tpu.memory_space<hbm>>) target(%dma_start3A_52 : memref<40xi32, #tpu.memory_space<vmem>>) target_semaphore(%arg18 : memref<!tpu.dma_semaphore, #tpu.memory_space<semaphore_mem>>)
    %dma_start3A_54 = arith.constant 0 : i32
    %dma_start3A_55 = arith.constant 0 : i32
    %dma_start3A_56 = arith.constant 0 : i32
    %dma_start3A_57 = tpu.memref_slice %arg11[%dma_start3A_54, %dma_start3A_55, %dma_start3A_56] : memref<2x40x128xf32, #tpu.memory_space<vmem>> -> memref<1x40x128xf32, #tpu.memory_space<vmem>>
    %dma_start3A_58 = tpu.memref_squeeze %dma_start3A_57 : memref<1x40x128xf32, #tpu.memory_space<vmem>> -> memref<40x128xf32, #tpu.memory_space<vmem>>
    %dma_start3A_59 = arith.constant 0 : i32
    %dma_start3A_60 = tpu.memref_slice %arg3[%add3A_36, %dma_start3A_59] : memref<320000x128xf32, #tpu.memory_space<hbm>> -> memref<40x128xf32, #tpu.memory_space<hbm>>
    %dma_start3A_61 = arith.constant 0 : i32
    %dma_start3A_62 = arith.constant 0 : i32
    %dma_start3A_63 = tpu.memref_slice %arg11[%dma_start3A_54, %dma_start3A_61, %dma_start3A_62] : memref<2x40x128xf32, #tpu.memory_space<vmem>> -> memref<1x40x128xf32, #tpu.memory_space<vmem>>
    %dma_start3A_64 = tpu.memref_squeeze %dma_start3A_63 : memref<1x40x128xf32, #tpu.memory_space<vmem>> -> memref<40x128xf32, #tpu.memory_space<vmem>>
    %dma_start3A_65 = arith.constant 0 : i32
    %dma_start3A_66 = tpu.memref_slice %arg3[%add3A_36, %dma_start3A_65] : memref<320000x128xf32, #tpu.memory_space<hbm>> -> memref<40x128xf32, #tpu.memory_space<hbm>>
    tpu.enqueue_dma source(%dma_start3A_66 : memref<40x128xf32, #tpu.memory_space<hbm>>) target(%dma_start3A_64 : memref<40x128xf32, #tpu.memory_space<vmem>>) target_semaphore(%arg20 : memref<!tpu.dma_semaphore, #tpu.memory_space<semaphore_mem>>)
    %dma_wait3A = arith.constant 0 : i32
    %dma_wait3A_67 = arith.constant 0 : i32
    %dma_wait3A_68 = tpu.memref_slice %arg8[%dma_wait3A, %dma_wait3A_67] : memref<2x40xi32, #tpu.memory_space<vmem>> -> memref<1x40xi32, #tpu.memory_space<vmem>>
    %dma_wait3A_69 = tpu.memref_squeeze %dma_wait3A_68 : memref<1x40xi32, #tpu.memory_space<vmem>> -> memref<40xi32, #tpu.memory_space<vmem>>
    %dma_wait3A_70 = arith.constant 0 : i32
    %dma_wait3A_71 = tpu.memref_slice %arg4[%dma_wait3A_70] : memref<320000xi32, #tpu.memory_space<hbm>> -> memref<40xi32, #tpu.memory_space<hbm>>
    %dma_wait3A_72 = arith.constant 0 : i32
    %dma_wait3A_73 = tpu.memref_slice %arg8[%dma_wait3A, %dma_wait3A_72] : memref<2x40xi32, #tpu.memory_space<vmem>> -> memref<1x40xi32, #tpu.memory_space<vmem>>
    %dma_wait3A_74 = tpu.memref_squeeze %dma_wait3A_73 : memref<1x40xi32, #tpu.memory_space<vmem>> -> memref<40xi32, #tpu.memory_space<vmem>>
    %dma_wait3A_75 = arith.constant 0 : i32
    %dma_wait3A_76 = tpu.memref_slice %arg4[%dma_wait3A_75] : memref<320000xi32, #tpu.memory_space<hbm>> -> memref<40xi32, #tpu.memory_space<hbm>>
    tpu.wait_dma2 semaphore(%arg16 : memref<!tpu.dma_semaphore, #tpu.memory_space<semaphore_mem>>) src(%dma_wait3A_76 : memref<40xi32, #tpu.memory_space<hbm>>) dst(%dma_wait3A_74 : memref<40xi32, #tpu.memory_space<vmem>>)
    %dma_start3A_77 = arith.constant 0 : i32
    %dma_start3A_78 = arith.constant 0 : i32
    %dma_start3A_79 = arith.constant 0 : i32
    %dma_start3A_80 = arith.constant 0 : i32
    %dma_start3A_81 = tpu.memref_slice %arg10[%dma_start3A_78, %dma_start3A_79, %dma_start3A_80] : memref<2x40x128xf32, #tpu.memory_space<vmem>> -> memref<1x40x128xf32, #tpu.memory_space<vmem>>
    %dma_start3A_82 = tpu.memref_squeeze %dma_start3A_81 : memref<1x40x128xf32, #tpu.memory_space<vmem>> -> memref<40x128xf32, #tpu.memory_space<vmem>>
    %dma_start3A_83 = arith.constant 0 : i32
    %dma_start3A_84 = tpu.memref_slice %arg8[%dma_start3A_77, %dma_start3A_83] : memref<2x40xi32, #tpu.memory_space<vmem>> -> memref<1x40xi32, #tpu.memory_space<vmem>>
    %dma_start3A_85 = tpu.memref_squeeze %dma_start3A_84 : memref<1x40xi32, #tpu.memory_space<vmem>> -> memref<40xi32, #tpu.memory_space<vmem>>
    %dma_start3A_86 = arith.constant 0 : i32
    %dma_start3A_87 = arith.constant 0 : i32
    %dma_start3A_88 = tpu.memref_slice %arg2[%dma_start3A_86, %dma_start3A_87] : memref<10000x128xf32, #tpu.memory_space<hbm>> -> memref<10000x128xf32, #tpu.memory_space<hbm>>
    tpu.enqueue_indirect_dma source(%dma_start3A_88 : memref<10000x128xf32, #tpu.memory_space<hbm>>) target(%dma_start3A_82 : memref<40x128xf32, #tpu.memory_space<vmem>>) offsets(%dma_start3A_85 : memref<40xi32, #tpu.memory_space<vmem>>) semaphore(%arg22 : memref<!tpu.dma_semaphore, #tpu.memory_space<semaphore_mem>>)
    %scan3A_89 = arith.constant 0 : i32
    %scan3A_90 = arith.constant 125 : i32
    %scan3A_91 = arith.addi %scan3A_89, %scan3A_90 : i32
    %scan3A_92 = arith.constant 1 : i32
    scf.for %scan3A_107 = %scan3A_89 to %scan3A_91 step %scan3A_92  : i32 {
      %mul3A_108 = arith.constant 1 : i32
      %mul3A_109 = arith.muli %scan3A_107, %mul3A_108 : i32
      %add3A_110 = arith.constant 0 : i32
      %add3A_111 = arith.addi %add3A_110, %mul3A_109 : i32
      %mul3A_112 = arith.constant 2 : i32
      %mul3A_113 = arith.muli %add3A_111, %mul3A_112 : i32
      %add3A_114 = arith.constant 0 : i32
      %add3A_115 = arith.addi %mul3A_113, %add3A_114 : i32
      %dma_wait3A_116 = arith.constant 0 : i32
      %dma_wait3A_117 = arith.constant 0 : i32
      %dma_wait3A_118 = tpu.memref_slice %arg9[%dma_wait3A_116, %dma_wait3A_117] : memref<2x40xi32, #tpu.memory_space<vmem>> -> memref<1x40xi32, #tpu.memory_space<vmem>>
      %dma_wait3A_119 = tpu.memref_squeeze %dma_wait3A_118 : memref<1x40xi32, #tpu.memory_space<vmem>> -> memref<40xi32, #tpu.memory_space<vmem>>
      %dma_wait3A_120 = arith.constant 0 : i32
      %dma_wait3A_121 = tpu.memref_slice %arg5[%dma_wait3A_120] : memref<320000xi32, #tpu.memory_space<hbm>> -> memref<40xi32, #tpu.memory_space<hbm>>
      %dma_wait3A_122 = arith.constant 0 : i32
      %dma_wait3A_123 = tpu.memref_slice %arg9[%dma_wait3A_116, %dma_wait3A_122] : memref<2x40xi32, #tpu.memory_space<vmem>> -> memref<1x40xi32, #tpu.memory_space<vmem>>
      %dma_wait3A_124 = tpu.memref_squeeze %dma_wait3A_123 : memref<1x40xi32, #tpu.memory_space<vmem>> -> memref<40xi32, #tpu.memory_space<vmem>>
      %dma_wait3A_125 = arith.constant 0 : i32
      %dma_wait3A_126 = tpu.memref_slice %arg5[%dma_wait3A_125] : memref<320000xi32, #tpu.memory_space<hbm>> -> memref<40xi32, #tpu.memory_space<hbm>>
      tpu.wait_dma2 semaphore(%arg18 : memref<!tpu.dma_semaphore, #tpu.memory_space<semaphore_mem>>) src(%dma_wait3A_126 : memref<40xi32, #tpu.memory_space<hbm>>) dst(%dma_wait3A_124 : memref<40xi32, #tpu.memory_space<vmem>>)
      %dma_wait3A_127 = arith.constant 0 : i32
      %dma_wait3A_128 = arith.constant 0 : i32
      %dma_wait3A_129 = arith.constant 0 : i32
      %dma_wait3A_130 = tpu.memref_slice %arg11[%dma_wait3A_127, %dma_wait3A_128, %dma_wait3A_129] : memref<2x40x128xf32, #tpu.memory_space<vmem>> -> memref<1x40x128xf32, #tpu.memory_space<vmem>>
      %dma_wait3A_131 = tpu.memref_squeeze %dma_wait3A_130 : memref<1x40x128xf32, #tpu.memory_space<vmem>> -> memref<40x128xf32, #tpu.memory_space<vmem>>
      %dma_wait3A_132 = arith.constant 0 : i32
      %dma_wait3A_133 = arith.constant 0 : i32
      %dma_wait3A_134 = tpu.memref_slice %arg3[%dma_wait3A_132, %dma_wait3A_133] : memref<320000x128xf32, #tpu.memory_space<hbm>> -> memref<40x128xf32, #tpu.memory_space<hbm>>
      %dma_wait3A_135 = arith.constant 0 : i32
      %dma_wait3A_136 = arith.constant 0 : i32
      %dma_wait3A_137 = tpu.memref_slice %arg11[%dma_wait3A_127, %dma_wait3A_135, %dma_wait3A_136] : memref<2x40x128xf32, #tpu.memory_space<vmem>> -> memref<1x40x128xf32, #tpu.memory_space<vmem>>
      %dma_wait3A_138 = tpu.memref_squeeze %dma_wait3A_137 : memref<1x40x128xf32, #tpu.memory_space<vmem>> -> memref<40x128xf32, #tpu.memory_space<vmem>>
      %dma_wait3A_139 = arith.constant 0 : i32
      %dma_wait3A_140 = arith.constant 0 : i32
      %dma_wait3A_141 = tpu.memref_slice %arg3[%dma_wait3A_139, %dma_wait3A_140] : memref<320000x128xf32, #tpu.memory_space<hbm>> -> memref<40x128xf32, #tpu.memory_space<hbm>>
      tpu.wait_dma2 semaphore(%arg20 : memref<!tpu.dma_semaphore, #tpu.memory_space<semaphore_mem>>) src(%dma_wait3A_141 : memref<40x128xf32, #tpu.memory_space<hbm>>) dst(%dma_wait3A_138 : memref<40x128xf32, #tpu.memory_space<vmem>>)
      %add3A_142 = arith.constant 1 : i32
      %add3A_143 = arith.addi %add3A_115, %add3A_142 : i32
      %lt3A = arith.constant 250 : i32
      %lt3A_144 = arith.cmpi slt, %add3A_143, %lt3A : i32
      %convert_element_type3A = arith.extui %lt3A_144 : i1 to i32
      %cond3A = arith.constant 0 : i32
      %cond3A_145 = arith.cmpi ne, %convert_element_type3A, %cond3A : i32
      scf.if %cond3A_145 {
        %add3A_236 = arith.constant 1 : i32
        %add3A_237 = arith.addi %add3A_115, %add3A_236 : i32
        %mul3A_238 = arith.constant 10000 : i32
        %mul3A_239 = arith.muli %add3A, %mul3A_238 : i32
        %mul3A_240 = arith.constant 40 : i32
        %mul3A_241 = arith.muli %add3A_237, %mul3A_240 : i32
        %add3A_242 = arith.addi %mul3A_239, %mul3A_241 : i32
        %dma_start3A_243 = arith.constant 1 : i32
        %dma_start3A_244 = arith.constant 0 : i32
        %dma_start3A_245 = tpu.memref_slice %arg8[%dma_start3A_243, %dma_start3A_244] : memref<2x40xi32, #tpu.memory_space<vmem>> -> memref<1x40xi32, #tpu.memory_space<vmem>>
        %dma_start3A_246 = tpu.memref_squeeze %dma_start3A_245 : memref<1x40xi32, #tpu.memory_space<vmem>> -> memref<40xi32, #tpu.memory_space<vmem>>
        %dma_start3A_247 = tpu.memref_slice %arg4[%add3A_242] : memref<320000xi32, #tpu.memory_space<hbm>> -> memref<40xi32, #tpu.memory_space<hbm>>
        %dma_start3A_248 = arith.constant 0 : i32
        %dma_start3A_249 = tpu.memref_slice %arg8[%dma_start3A_243, %dma_start3A_248] : memref<2x40xi32, #tpu.memory_space<vmem>> -> memref<1x40xi32, #tpu.memory_space<vmem>>
        %dma_start3A_250 = tpu.memref_squeeze %dma_start3A_249 : memref<1x40xi32, #tpu.memory_space<vmem>> -> memref<40xi32, #tpu.memory_space<vmem>>
        %dma_start3A_251 = tpu.memref_slice %arg4[%add3A_242] : memref<320000xi32, #tpu.memory_space<hbm>> -> memref<40xi32, #tpu.memory_space<hbm>>
        tpu.enqueue_dma source(%dma_start3A_251 : memref<40xi32, #tpu.memory_space<hbm>>) target(%dma_start3A_250 : memref<40xi32, #tpu.memory_space<vmem>>) target_semaphore(%arg17 : memref<!tpu.dma_semaphore, #tpu.memory_space<semaphore_mem>>)
        %dma_start3A_252 = arith.constant 1 : i32
        %dma_start3A_253 = arith.constant 0 : i32
        %dma_start3A_254 = tpu.memref_slice %arg9[%dma_start3A_252, %dma_start3A_253] : memref<2x40xi32, #tpu.memory_space<vmem>> -> memref<1x40xi32, #tpu.memory_space<vmem>>
        %dma_start3A_255 = tpu.memref_squeeze %dma_start3A_254 : memref<1x40xi32, #tpu.memory_space<vmem>> -> memref<40xi32, #tpu.memory_space<vmem>>
        %dma_start3A_256 = tpu.memref_slice %arg5[%add3A_242] : memref<320000xi32, #tpu.memory_space<hbm>> -> memref<40xi32, #tpu.memory_space<hbm>>
        %dma_start3A_257 = arith.constant 0 : i32
        %dma_start3A_258 = tpu.memref_slice %arg9[%dma_start3A_252, %dma_start3A_257] : memref<2x40xi32, #tpu.memory_space<vmem>> -> memref<1x40xi32, #tpu.memory_space<vmem>>
        %dma_start3A_259 = tpu.memref_squeeze %dma_start3A_258 : memref<1x40xi32, #tpu.memory_space<vmem>> -> memref<40xi32, #tpu.memory_space<vmem>>
        %dma_start3A_260 = tpu.memref_slice %arg5[%add3A_242] : memref<320000xi32, #tpu.memory_space<hbm>> -> memref<40xi32, #tpu.memory_space<hbm>>
        tpu.enqueue_dma source(%dma_start3A_260 : memref<40xi32, #tpu.memory_space<hbm>>) target(%dma_start3A_259 : memref<40xi32, #tpu.memory_space<vmem>>) target_semaphore(%arg19 : memref<!tpu.dma_semaphore, #tpu.memory_space<semaphore_mem>>)
        %dma_start3A_261 = arith.constant 1 : i32
        %dma_start3A_262 = arith.constant 0 : i32
        %dma_start3A_263 = arith.constant 0 : i32
        %dma_start3A_264 = tpu.memref_slice %arg11[%dma_start3A_261, %dma_start3A_262, %dma_start3A_263] : memref<2x40x128xf32, #tpu.memory_space<vmem>> -> memref<1x40x128xf32, #tpu.memory_space<vmem>>
        %dma_start3A_265 = tpu.memref_squeeze %dma_start3A_264 : memref<1x40x128xf32, #tpu.memory_space<vmem>> -> memref<40x128xf32, #tpu.memory_space<vmem>>
        %dma_start3A_266 = arith.constant 0 : i32
        %dma_start3A_267 = tpu.memref_slice %arg3[%add3A_242, %dma_start3A_266] : memref<320000x128xf32, #tpu.memory_space<hbm>> -> memref<40x128xf32, #tpu.memory_space<hbm>>
        %dma_start3A_268 = arith.constant 0 : i32
        %dma_start3A_269 = arith.constant 0 : i32
        %dma_start3A_270 = tpu.memref_slice %arg11[%dma_start3A_261, %dma_start3A_268, %dma_start3A_269] : memref<2x40x128xf32, #tpu.memory_space<vmem>> -> memref<1x40x128xf32, #tpu.memory_space<vmem>>
        %dma_start3A_271 = tpu.memref_squeeze %dma_start3A_270 : memref<1x40x128xf32, #tpu.memory_space<vmem>> -> memref<40x128xf32, #tpu.memory_space<vmem>>
        %dma_start3A_272 = arith.constant 0 : i32
        %dma_start3A_273 = tpu.memref_slice %arg3[%add3A_242, %dma_start3A_272] : memref<320000x128xf32, #tpu.memory_space<hbm>> -> memref<40x128xf32, #tpu.memory_space<hbm>>
        tpu.enqueue_dma source(%dma_start3A_273 : memref<40x128xf32, #tpu.memory_space<hbm>>) target(%dma_start3A_271 : memref<40x128xf32, #tpu.memory_space<vmem>>) target_semaphore(%arg21 : memref<!tpu.dma_semaphore, #tpu.memory_space<semaphore_mem>>)
      } else {
      }
      %dma_wait3A_146 = arith.constant 0 : i32
      %dma_wait3A_147 = arith.constant 0 : i32
      %dma_wait3A_148 = arith.constant 0 : i32
      %dma_wait3A_149 = arith.constant 0 : i32
      %dma_wait3A_150 = tpu.memref_slice %arg10[%dma_wait3A_147, %dma_wait3A_148, %dma_wait3A_149] : memref<2x40x128xf32, #tpu.memory_space<vmem>> -> memref<1x40x128xf32, #tpu.memory_space<vmem>>
      %dma_wait3A_151 = tpu.memref_squeeze %dma_wait3A_150 : memref<1x40x128xf32, #tpu.memory_space<vmem>> -> memref<40x128xf32, #tpu.memory_space<vmem>>
      %dma_wait3A_152 = arith.constant 0 : i32
      %dma_wait3A_153 = tpu.memref_slice %arg8[%dma_wait3A_146, %dma_wait3A_152] : memref<2x40xi32, #tpu.memory_space<vmem>> -> memref<1x40xi32, #tpu.memory_space<vmem>>
      %dma_wait3A_154 = tpu.memref_squeeze %dma_wait3A_153 : memref<1x40xi32, #tpu.memory_space<vmem>> -> memref<40xi32, #tpu.memory_space<vmem>>
      %dma_wait3A_155 = arith.constant 0 : i32
      %dma_wait3A_156 = arith.constant 0 : i32
      %dma_wait3A_157 = tpu.memref_slice %arg2[%dma_wait3A_155, %dma_wait3A_156] : memref<10000x128xf32, #tpu.memory_space<hbm>> -> memref<10000x128xf32, #tpu.memory_space<hbm>>
      tpu.wait_indirect_dma semaphore(%arg22 : memref<!tpu.dma_semaphore, #tpu.memory_space<semaphore_mem>>) src(%dma_wait3A_157 : memref<10000x128xf32, #tpu.memory_space<hbm>>) dst(%dma_wait3A_151 : memref<40x128xf32, #tpu.memory_space<vmem>>)
      %add3A_158 = arith.constant 1 : i32
      %add3A_159 = arith.addi %add3A_115, %add3A_158 : i32
      %lt3A_160 = arith.constant 250 : i32
      %lt3A_161 = arith.cmpi slt, %add3A_159, %lt3A_160 : i32
      %convert_element_type3A_162 = arith.extui %lt3A_161 : i1 to i32
      %cond3A_163 = arith.constant 0 : i32
      %cond3A_164 = arith.cmpi ne, %convert_element_type3A_162, %cond3A_163 : i32
      scf.if %cond3A_164 {
        %dma_wait3A_236 = arith.constant 1 : i32
        %dma_wait3A_237 = arith.constant 0 : i32
        %dma_wait3A_238 = tpu.memref_slice %arg8[%dma_wait3A_236, %dma_wait3A_237] : memref<2x40xi32, #tpu.memory_space<vmem>> -> memref<1x40xi32, #tpu.memory_space<vmem>>
        %dma_wait3A_239 = tpu.memref_squeeze %dma_wait3A_238 : memref<1x40xi32, #tpu.memory_space<vmem>> -> memref<40xi32, #tpu.memory_space<vmem>>
        %dma_wait3A_240 = arith.constant 0 : i32
        %dma_wait3A_241 = tpu.memref_slice %arg4[%dma_wait3A_240] : memref<320000xi32, #tpu.memory_space<hbm>> -> memref<40xi32, #tpu.memory_space<hbm>>
        %dma_wait3A_242 = arith.constant 0 : i32
        %dma_wait3A_243 = tpu.memref_slice %arg8[%dma_wait3A_236, %dma_wait3A_242] : memref<2x40xi32, #tpu.memory_space<vmem>> -> memref<1x40xi32, #tpu.memory_space<vmem>>
        %dma_wait3A_244 = tpu.memref_squeeze %dma_wait3A_243 : memref<1x40xi32, #tpu.memory_space<vmem>> -> memref<40xi32, #tpu.memory_space<vmem>>
        %dma_wait3A_245 = arith.constant 0 : i32
        %dma_wait3A_246 = tpu.memref_slice %arg4[%dma_wait3A_245] : memref<320000xi32, #tpu.memory_space<hbm>> -> memref<40xi32, #tpu.memory_space<hbm>>
        tpu.wait_dma2 semaphore(%arg17 : memref<!tpu.dma_semaphore, #tpu.memory_space<semaphore_mem>>) src(%dma_wait3A_246 : memref<40xi32, #tpu.memory_space<hbm>>) dst(%dma_wait3A_244 : memref<40xi32, #tpu.memory_space<vmem>>)
        %dma_start3A_247 = arith.constant 1 : i32
        %dma_start3A_248 = arith.constant 1 : i32
        %dma_start3A_249 = arith.constant 0 : i32
        %dma_start3A_250 = arith.constant 0 : i32
        %dma_start3A_251 = tpu.memref_slice %arg10[%dma_start3A_248, %dma_start3A_249, %dma_start3A_250] : memref<2x40x128xf32, #tpu.memory_space<vmem>> -> memref<1x40x128xf32, #tpu.memory_space<vmem>>
        %dma_start3A_252 = tpu.memref_squeeze %dma_start3A_251 : memref<1x40x128xf32, #tpu.memory_space<vmem>> -> memref<40x128xf32, #tpu.memory_space<vmem>>
        %dma_start3A_253 = arith.constant 0 : i32
        %dma_start3A_254 = tpu.memref_slice %arg8[%dma_start3A_247, %dma_start3A_253] : memref<2x40xi32, #tpu.memory_space<vmem>> -> memref<1x40xi32, #tpu.memory_space<vmem>>
        %dma_start3A_255 = tpu.memref_squeeze %dma_start3A_254 : memref<1x40xi32, #tpu.memory_space<vmem>> -> memref<40xi32, #tpu.memory_space<vmem>>
        %dma_start3A_256 = arith.constant 0 : i32
        %dma_start3A_257 = arith.constant 0 : i32
        %dma_start3A_258 = tpu.memref_slice %arg2[%dma_start3A_256, %dma_start3A_257] : memref<10000x128xf32, #tpu.memory_space<hbm>> -> memref<10000x128xf32, #tpu.memory_space<hbm>>
        tpu.enqueue_indirect_dma source(%dma_start3A_258 : memref<10000x128xf32, #tpu.memory_space<hbm>>) target(%dma_start3A_252 : memref<40x128xf32, #tpu.memory_space<vmem>>) offsets(%dma_start3A_255 : memref<40xi32, #tpu.memory_space<vmem>>) semaphore(%arg23 : memref<!tpu.dma_semaphore, #tpu.memory_space<semaphore_mem>>)
      } else {
      }
      %scan3A_165 = arith.constant 0 : i32
      %scan3A_166 = arith.constant 40 : i32
      %scan3A_167 = arith.addi %scan3A_165, %scan3A_166 : i32
      %scan3A_168 = arith.constant 1 : i32
      scf.for %scan3A_236 = %scan3A_165 to %scan3A_167 step %scan3A_168  : i32 {
        %mul3A_237 = arith.constant 1 : i32
        %mul3A_238 = arith.muli %scan3A_236, %mul3A_237 : i32
        %add3A_239 = arith.constant 0 : i32
        %add3A_240 = arith.addi %add3A_239, %mul3A_238 : i32
        %get3A = arith.constant 0 : i32
        %get3A_241 = arith.index_cast %get3A : i32 to index
        %get3A_242 = arith.index_cast %add3A_240 : i32 to index
        %get3A_243 = arith.constant 0 : index
        %get3A_244 = tpu.vector_load %arg10[%get3A_241, %get3A_242, %get3A_243] {strides = array<i32>} : memref<2x40x128xf32, #tpu.memory_space<vmem>>, vector<1x1x16xf32>,
        %get3A_245 = vector.shape_cast %get3A_244 : vector<1x1x16xf32> to vector<16xf32>
        %get3A_246 = arith.constant 0 : i32
        %get3A_247 = arith.index_cast %get3A_246 : i32 to index
        %get3A_248 = arith.index_cast %add3A_240 : i32 to index
        %get3A_249 = arith.constant 0 : index
        %get3A_250 = tpu.vector_load %arg11[%get3A_247, %get3A_248, %get3A_249] {strides = array<i32>} : memref<2x40x128xf32, #tpu.memory_space<vmem>>, vector<1x1x16xf32>,
        %get3A_251 = vector.shape_cast %get3A_250 : vector<1x1x16xf32> to vector<16xf32>
        %add3A_252 = arith.addf %get3A_245, %get3A_251 : vector<16xf32>
        %max3A = arith.constant 0.000000e+00 : f32
        %max3A_253 = vector.broadcast %max3A : f32 to vector<16xf32>
        %max3A_254 = arith.maximumf %add3A_252, %max3A_253 : vector<16xf32>
        %swap3A_255 = arith.constant 0 : i32
        %swap3A_256 = arith.index_cast %swap3A_255 : i32 to index
        %swap3A_257 = arith.index_cast %add3A_240 : i32 to index
        %swap3A_258 = arith.constant 0 : index
        %swap3A_259 = tpu.vector_load %arg10[%swap3A_256, %swap3A_257, %swap3A_258] {strides = array<i32>} : memref<2x40x128xf32, #tpu.memory_space<vmem>>, vector<1x1x16xf32>,
        %swap3A_260 = vector.shape_cast %swap3A_259 : vector<1x1x16xf32> to vector<16xf32>
        %swap3A_261 = vector.shape_cast %max3A_254 : vector<16xf32> to vector<1x1x16xf32>
        tpu.vector_store %arg10[%swap3A_256, %swap3A_257, %swap3A_258], %swap3A_261 {strides = array<i32>} : memref<2x40x128xf32, #tpu.memory_space<vmem>>, vector<1x1x16xf32>,
        %get3A_262 = arith.constant 0 : i32
        %get3A_263 = arith.index_cast %get3A_262 : i32 to index
        %get3A_264 = arith.index_cast %add3A_240 : i32 to index
        %get3A_265 = arith.constant 16 : index
        %get3A_266 = tpu.vector_load %arg10[%get3A_263, %get3A_264, %get3A_265] {strides = array<i32>} : memref<2x40x128xf32, #tpu.memory_space<vmem>>, vector<1x1x16xf32>,
        %get3A_267 = vector.shape_cast %get3A_266 : vector<1x1x16xf32> to vector<16xf32>
        %get3A_268 = arith.constant 0 : i32
        %get3A_269 = arith.index_cast %get3A_268 : i32 to index
        %get3A_270 = arith.index_cast %add3A_240 : i32 to index
        %get3A_271 = arith.constant 16 : index
        %get3A_272 = tpu.vector_load %arg11[%get3A_269, %get3A_270, %get3A_271] {strides = array<i32>} : memref<2x40x128xf32, #tpu.memory_space<vmem>>, vector<1x1x16xf32>,
        %get3A_273 = vector.shape_cast %get3A_272 : vector<1x1x16xf32> to vector<16xf32>
        %add3A_274 = arith.addf %get3A_267, %get3A_273 : vector<16xf32>
        %max3A_275 = arith.constant 0.000000e+00 : f32
        %max3A_276 = vector.broadcast %max3A_275 : f32 to vector<16xf32>
        %max3A_277 = arith.maximumf %add3A_274, %max3A_276 : vector<16xf32>
        %swap3A_278 = arith.constant 0 : i32
        %swap3A_279 = arith.index_cast %swap3A_278 : i32 to index
        %swap3A_280 = arith.index_cast %add3A_240 : i32 to index
        %swap3A_281 = arith.constant 16 : index
        %swap3A_282 = tpu.vector_load %arg10[%swap3A_279, %swap3A_280, %swap3A_281] {strides = array<i32>} : memref<2x40x128xf32, #tpu.memory_space<vmem>>, vector<1x1x16xf32>,
        %swap3A_283 = vector.shape_cast %swap3A_282 : vector<1x1x16xf32> to vector<16xf32>
        %swap3A_284 = vector.shape_cast %max3A_277 : vector<16xf32> to vector<1x1x16xf32>
        tpu.vector_store %arg10[%swap3A_279, %swap3A_280, %swap3A_281], %swap3A_284 {strides = array<i32>} : memref<2x40x128xf32, #tpu.memory_space<vmem>>, vector<1x1x16xf32>,
        %get3A_285 = arith.constant 0 : i32
        %get3A_286 = arith.index_cast %get3A_285 : i32 to index
        %get3A_287 = arith.index_cast %add3A_240 : i32 to index
        %get3A_288 = arith.constant 32 : index
        %get3A_289 = tpu.vector_load %arg10[%get3A_286, %get3A_287, %get3A_288] {strides = array<i32>} : memref<2x40x128xf32, #tpu.memory_space<vmem>>, vector<1x1x16xf32>,
        %get3A_290 = vector.shape_cast %get3A_289 : vector<1x1x16xf32> to vector<16xf32>
        %get3A_291 = arith.constant 0 : i32
        %get3A_292 = arith.index_cast %get3A_291 : i32 to index
        %get3A_293 = arith.index_cast %add3A_240 : i32 to index
        %get3A_294 = arith.constant 32 : index
        %get3A_295 = tpu.vector_load %arg11[%get3A_292, %get3A_293, %get3A_294] {strides = array<i32>} : memref<2x40x128xf32, #tpu.memory_space<vmem>>, vector<1x1x16xf32>,
        %get3A_296 = vector.shape_cast %get3A_295 : vector<1x1x16xf32> to vector<16xf32>
        %add3A_297 = arith.addf %get3A_290, %get3A_296 : vector<16xf32>
        %max3A_298 = arith.constant 0.000000e+00 : f32
        %max3A_299 = vector.broadcast %max3A_298 : f32 to vector<16xf32>
        %max3A_300 = arith.maximumf %add3A_297, %max3A_299 : vector<16xf32>
        %swap3A_301 = arith.constant 0 : i32
        %swap3A_302 = arith.index_cast %swap3A_301 : i32 to index
        %swap3A_303 = arith.index_cast %add3A_240 : i32 to index
        %swap3A_304 = arith.constant 32 : index
        %swap3A_305 = tpu.vector_load %arg10[%swap3A_302, %swap3A_303, %swap3A_304] {strides = array<i32>} : memref<2x40x128xf32, #tpu.memory_space<vmem>>, vector<1x1x16xf32>,
        %swap3A_306 = vector.shape_cast %swap3A_305 : vector<1x1x16xf32> to vector<16xf32>
        %swap3A_307 = vector.shape_cast %max3A_300 : vector<16xf32> to vector<1x1x16xf32>
        tpu.vector_store %arg10[%swap3A_302, %swap3A_303, %swap3A_304], %swap3A_307 {strides = array<i32>} : memref<2x40x128xf32, #tpu.memory_space<vmem>>, vector<1x1x16xf32>,
        %get3A_308 = arith.constant 0 : i32
        %get3A_309 = arith.index_cast %get3A_308 : i32 to index
        %get3A_310 = arith.index_cast %add3A_240 : i32 to index
        %get3A_311 = arith.constant 48 : index
        %get3A_312 = tpu.vector_load %arg10[%get3A_309, %get3A_310, %get3A_311] {strides = array<i32>} : memref<2x40x128xf32, #tpu.memory_space<vmem>>, vector<1x1x16xf32>,
        %get3A_313 = vector.shape_cast %get3A_312 : vector<1x1x16xf32> to vector<16xf32>
        %get3A_314 = arith.constant 0 : i32
        %get3A_315 = arith.index_cast %get3A_314 : i32 to index
        %get3A_316 = arith.index_cast %add3A_240 : i32 to index
        %get3A_317 = arith.constant 48 : index
        %get3A_318 = tpu.vector_load %arg11[%get3A_315, %get3A_316, %get3A_317] {strides = array<i32>} : memref<2x40x128xf32, #tpu.memory_space<vmem>>, vector<1x1x16xf32>,
        %get3A_319 = vector.shape_cast %get3A_318 : vector<1x1x16xf32> to vector<16xf32>
        %add3A_320 = arith.addf %get3A_313, %get3A_319 : vector<16xf32>
        %max3A_321 = arith.constant 0.000000e+00 : f32
        %max3A_322 = vector.broadcast %max3A_321 : f32 to vector<16xf32>
        %max3A_323 = arith.maximumf %add3A_320, %max3A_322 : vector<16xf32>
        %swap3A_324 = arith.constant 0 : i32
        %swap3A_325 = arith.index_cast %swap3A_324 : i32 to index
        %swap3A_326 = arith.index_cast %add3A_240 : i32 to index
        %swap3A_327 = arith.constant 48 : index
        %swap3A_328 = tpu.vector_load %arg10[%swap3A_325, %swap3A_326, %swap3A_327] {strides = array<i32>} : memref<2x40x128xf32, #tpu.memory_space<vmem>>, vector<1x1x16xf32>,
        %swap3A_329 = vector.shape_cast %swap3A_328 : vector<1x1x16xf32> to vector<16xf32>
        %swap3A_330 = vector.shape_cast %max3A_323 : vector<16xf32> to vector<1x1x16xf32>
        tpu.vector_store %arg10[%swap3A_325, %swap3A_326, %swap3A_327], %swap3A_330 {strides = array<i32>} : memref<2x40x128xf32, #tpu.memory_space<vmem>>, vector<1x1x16xf32>,
        %get3A_331 = arith.constant 0 : i32
        %get3A_332 = arith.index_cast %get3A_331 : i32 to index
        %get3A_333 = arith.index_cast %add3A_240 : i32 to index
        %get3A_334 = arith.constant 64 : index
        %get3A_335 = tpu.vector_load %arg10[%get3A_332, %get3A_333, %get3A_334] {strides = array<i32>} : memref<2x40x128xf32, #tpu.memory_space<vmem>>, vector<1x1x16xf32>,
        %get3A_336 = vector.shape_cast %get3A_335 : vector<1x1x16xf32> to vector<16xf32>
        %get3A_337 = arith.constant 0 : i32
        %get3A_338 = arith.index_cast %get3A_337 : i32 to index
        %get3A_339 = arith.index_cast %add3A_240 : i32 to index
        %get3A_340 = arith.constant 64 : index
        %get3A_341 = tpu.vector_load %arg11[%get3A_338, %get3A_339, %get3A_340] {strides = array<i32>} : memref<2x40x128xf32, #tpu.memory_space<vmem>>, vector<1x1x16xf32>,
        %get3A_342 = vector.shape_cast %get3A_341 : vector<1x1x16xf32> to vector<16xf32>
        %add3A_343 = arith.addf %get3A_336, %get3A_342 : vector<16xf32>
        %max3A_344 = arith.constant 0.000000e+00 : f32
        %max3A_345 = vector.broadcast %max3A_344 : f32 to vector<16xf32>
        %max3A_346 = arith.maximumf %add3A_343, %max3A_345 : vector<16xf32>
        %swap3A_347 = arith.constant 0 : i32
        %swap3A_348 = arith.index_cast %swap3A_347 : i32 to index
        %swap3A_349 = arith.index_cast %add3A_240 : i32 to index
        %swap3A_350 = arith.constant 64 : index
        %swap3A_351 = tpu.vector_load %arg10[%swap3A_348, %swap3A_349, %swap3A_350] {strides = array<i32>} : memref<2x40x128xf32, #tpu.memory_space<vmem>>, vector<1x1x16xf32>,
        %swap3A_352 = vector.shape_cast %swap3A_351 : vector<1x1x16xf32> to vector<16xf32>
        %swap3A_353 = vector.shape_cast %max3A_346 : vector<16xf32> to vector<1x1x16xf32>
        tpu.vector_store %arg10[%swap3A_348, %swap3A_349, %swap3A_350], %swap3A_353 {strides = array<i32>} : memref<2x40x128xf32, #tpu.memory_space<vmem>>, vector<1x1x16xf32>,
        %get3A_354 = arith.constant 0 : i32
        %get3A_355 = arith.index_cast %get3A_354 : i32 to index
        %get3A_356 = arith.index_cast %add3A_240 : i32 to index
        %get3A_357 = arith.constant 80 : index
        %get3A_358 = tpu.vector_load %arg10[%get3A_355, %get3A_356, %get3A_357] {strides = array<i32>} : memref<2x40x128xf32, #tpu.memory_space<vmem>>, vector<1x1x16xf32>,
        %get3A_359 = vector.shape_cast %get3A_358 : vector<1x1x16xf32> to vector<16xf32>
        %get3A_360 = arith.constant 0 : i32
        %get3A_361 = arith.index_cast %get3A_360 : i32 to index
        %get3A_362 = arith.index_cast %add3A_240 : i32 to index
        %get3A_363 = arith.constant 80 : index
        %get3A_364 = tpu.vector_load %arg11[%get3A_361, %get3A_362, %get3A_363] {strides = array<i32>} : memref<2x40x128xf32, #tpu.memory_space<vmem>>, vector<1x1x16xf32>,
        %get3A_365 = vector.shape_cast %get3A_364 : vector<1x1x16xf32> to vector<16xf32>
        %add3A_366 = arith.addf %get3A_359, %get3A_365 : vector<16xf32>
        %max3A_367 = arith.constant 0.000000e+00 : f32
        %max3A_368 = vector.broadcast %max3A_367 : f32 to vector<16xf32>
        %max3A_369 = arith.maximumf %add3A_366, %max3A_368 : vector<16xf32>
        %swap3A_370 = arith.constant 0 : i32
        %swap3A_371 = arith.index_cast %swap3A_370 : i32 to index
        %swap3A_372 = arith.index_cast %add3A_240 : i32 to index
        %swap3A_373 = arith.constant 80 : index
        %swap3A_374 = tpu.vector_load %arg10[%swap3A_371, %swap3A_372, %swap3A_373] {strides = array<i32>} : memref<2x40x128xf32, #tpu.memory_space<vmem>>, vector<1x1x16xf32>,
        %swap3A_375 = vector.shape_cast %swap3A_374 : vector<1x1x16xf32> to vector<16xf32>
        %swap3A_376 = vector.shape_cast %max3A_369 : vector<16xf32> to vector<1x1x16xf32>
        tpu.vector_store %arg10[%swap3A_371, %swap3A_372, %swap3A_373], %swap3A_376 {strides = array<i32>} : memref<2x40x128xf32, #tpu.memory_space<vmem>>, vector<1x1x16xf32>,
        %get3A_377 = arith.constant 0 : i32
        %get3A_378 = arith.index_cast %get3A_377 : i32 to index
        %get3A_379 = arith.index_cast %add3A_240 : i32 to index
        %get3A_380 = arith.constant 96 : index
        %get3A_381 = tpu.vector_load %arg10[%get3A_378, %get3A_379, %get3A_380] {strides = array<i32>} : memref<2x40x128xf32, #tpu.memory_space<vmem>>, vector<1x1x16xf32>,
        %get3A_382 = vector.shape_cast %get3A_381 : vector<1x1x16xf32> to vector<16xf32>
        %get3A_383 = arith.constant 0 : i32
        %get3A_384 = arith.index_cast %get3A_383 : i32 to index
        %get3A_385 = arith.index_cast %add3A_240 : i32 to index
        %get3A_386 = arith.constant 96 : index
        %get3A_387 = tpu.vector_load %arg11[%get3A_384, %get3A_385, %get3A_386] {strides = array<i32>} : memref<2x40x128xf32, #tpu.memory_space<vmem>>, vector<1x1x16xf32>,
        %get3A_388 = vector.shape_cast %get3A_387 : vector<1x1x16xf32> to vector<16xf32>
        %add3A_389 = arith.addf %get3A_382, %get3A_388 : vector<16xf32>
        %max3A_390 = arith.constant 0.000000e+00 : f32
        %max3A_391 = vector.broadcast %max3A_390 : f32 to vector<16xf32>
        %max3A_392 = arith.maximumf %add3A_389, %max3A_391 : vector<16xf32>
        %swap3A_393 = arith.constant 0 : i32
        %swap3A_394 = arith.index_cast %swap3A_393 : i32 to index
        %swap3A_395 = arith.index_cast %add3A_240 : i32 to index
        %swap3A_396 = arith.constant 96 : index
        %swap3A_397 = tpu.vector_load %arg10[%swap3A_394, %swap3A_395, %swap3A_396] {strides = array<i32>} : memref<2x40x128xf32, #tpu.memory_space<vmem>>, vector<1x1x16xf32>,
        %swap3A_398 = vector.shape_cast %swap3A_397 : vector<1x1x16xf32> to vector<16xf32>
        %swap3A_399 = vector.shape_cast %max3A_392 : vector<16xf32> to vector<1x1x16xf32>
        tpu.vector_store %arg10[%swap3A_394, %swap3A_395, %swap3A_396], %swap3A_399 {strides = array<i32>} : memref<2x40x128xf32, #tpu.memory_space<vmem>>, vector<1x1x16xf32>,
        %get3A_400 = arith.constant 0 : i32
        %get3A_401 = arith.index_cast %get3A_400 : i32 to index
        %get3A_402 = arith.index_cast %add3A_240 : i32 to index
        %get3A_403 = arith.constant 112 : index
        %get3A_404 = tpu.vector_load %arg10[%get3A_401, %get3A_402, %get3A_403] {strides = array<i32>} : memref<2x40x128xf32, #tpu.memory_space<vmem>>, vector<1x1x16xf32>,
        %get3A_405 = vector.shape_cast %get3A_404 : vector<1x1x16xf32> to vector<16xf32>
        %get3A_406 = arith.constant 0 : i32
        %get3A_407 = arith.index_cast %get3A_406 : i32 to index
        %get3A_408 = arith.index_cast %add3A_240 : i32 to index
        %get3A_409 = arith.constant 112 : index
        %get3A_410 = tpu.vector_load %arg11[%get3A_407, %get3A_408, %get3A_409] {strides = array<i32>} : memref<2x40x128xf32, #tpu.memory_space<vmem>>, vector<1x1x16xf32>,
        %get3A_411 = vector.shape_cast %get3A_410 : vector<1x1x16xf32> to vector<16xf32>
        %add3A_412 = arith.addf %get3A_405, %get3A_411 : vector<16xf32>
        %max3A_413 = arith.constant 0.000000e+00 : f32
        %max3A_414 = vector.broadcast %max3A_413 : f32 to vector<16xf32>
        %max3A_415 = arith.maximumf %add3A_412, %max3A_414 : vector<16xf32>
        %swap3A_416 = arith.constant 0 : i32
        %swap3A_417 = arith.index_cast %swap3A_416 : i32 to index
        %swap3A_418 = arith.index_cast %add3A_240 : i32 to index
        %swap3A_419 = arith.constant 112 : index
        %swap3A_420 = tpu.vector_load %arg10[%swap3A_417, %swap3A_418, %swap3A_419] {strides = array<i32>} : memref<2x40x128xf32, #tpu.memory_space<vmem>>, vector<1x1x16xf32>,
        %swap3A_421 = vector.shape_cast %swap3A_420 : vector<1x1x16xf32> to vector<16xf32>
        %swap3A_422 = vector.shape_cast %max3A_415 : vector<16xf32> to vector<1x1x16xf32>
        tpu.vector_store %arg10[%swap3A_417, %swap3A_418, %swap3A_419], %swap3A_422 {strides = array<i32>} : memref<2x40x128xf32, #tpu.memory_space<vmem>>, vector<1x1x16xf32>,
      }
      %scan3A_169 = arith.constant 40 : i32
      %run_scoped3A = arith.constant 0 : i32
      %run_scoped3A_170 = arith.constant 0 : i32
      "tpu.region"() ({
        %run_scoped3A_236 = tpu.sem_alloc : memref<!tpu.dma_semaphore, #tpu.memory_space<semaphore_mem>>
        %dma_start3A_237 = arith.constant 0 : i32
        %dma_start3A_238 = arith.constant 0 : i32
        %dma_start3A_239 = tpu.memref_slice %arg10[%run_scoped3A, %dma_start3A_237, %dma_start3A_238] : memref<2x40x128xf32, #tpu.memory_space<vmem>> -> memref<1x40x128xf32, #tpu.memory_space<vmem>>
        %dma_start3A_240 = tpu.memref_squeeze %dma_start3A_239 : memref<1x40x128xf32, #tpu.memory_space<vmem>> -> memref<40x128xf32, #tpu.memory_space<vmem>>
        %dma_start3A_241 = arith.constant 0 : i32
        %dma_start3A_242 = tpu.memref_slice %arg9[%run_scoped3A_170, %dma_start3A_241] : memref<2x40xi32, #tpu.memory_space<vmem>> -> memref<1x40xi32, #tpu.memory_space<vmem>>
        %dma_start3A_243 = tpu.memref_squeeze %dma_start3A_242 : memref<1x40xi32, #tpu.memory_space<vmem>> -> memref<40xi32, #tpu.memory_space<vmem>>
        %dma_start3A_244 = arith.constant 0 : i32
        %dma_start3A_245 = arith.constant 0 : i32
        %dma_start3A_246 = tpu.memref_slice %arg14[%dma_start3A_244, %dma_start3A_245] : memref<10240x128xf32, #tpu.memory_space<vmem_shared>> -> memref<10240x128xf32, #tpu.memory_space<vmem_shared>>
        tpu.enqueue_indirect_dma source(%dma_start3A_240 : memref<40x128xf32, #tpu.memory_space<vmem>>) target(%dma_start3A_246 : memref<10240x128xf32, #tpu.memory_space<vmem_shared>>) offsets(%dma_start3A_243 : memref<40xi32, #tpu.memory_space<vmem>>) semaphore(%run_scoped3A_236 : memref<!tpu.dma_semaphore, #tpu.memory_space<semaphore_mem>>) {add = true}
        %dma_wait3A_247 = arith.constant 0 : i32
        %dma_wait3A_248 = arith.constant 0 : i32
        %dma_wait3A_249 = tpu.memref_slice %arg10[%run_scoped3A, %dma_wait3A_247, %dma_wait3A_248] : memref<2x40x128xf32, #tpu.memory_space<vmem>> -> memref<1x40x128xf32, #tpu.memory_space<vmem>>
        %dma_wait3A_250 = tpu.memref_squeeze %dma_wait3A_249 : memref<1x40x128xf32, #tpu.memory_space<vmem>> -> memref<40x128xf32, #tpu.memory_space<vmem>>
        %dma_wait3A_251 = arith.constant 0 : i32
        %dma_wait3A_252 = tpu.memref_slice %arg9[%run_scoped3A_170, %dma_wait3A_251] : memref<2x40xi32, #tpu.memory_space<vmem>> -> memref<1x40xi32, #tpu.memory_space<vmem>>
        %dma_wait3A_253 = tpu.memref_squeeze %dma_wait3A_252 : memref<1x40xi32, #tpu.memory_space<vmem>> -> memref<40xi32, #tpu.memory_space<vmem>>
        %dma_wait3A_254 = arith.constant 0 : i32
        %dma_wait3A_255 = arith.constant 0 : i32
        %dma_wait3A_256 = tpu.memref_slice %arg14[%dma_wait3A_254, %dma_wait3A_255] : memref<10240x128xf32, #tpu.memory_space<vmem_shared>> -> memref<10240x128xf32, #tpu.memory_space<vmem_shared>>
        tpu.wait_indirect_dma semaphore(%run_scoped3A_236 : memref<!tpu.dma_semaphore, #tpu.memory_space<semaphore_mem>>) src(%dma_wait3A_250 : memref<40x128xf32, #tpu.memory_space<vmem>>) dst(%dma_wait3A_256 : memref<10240x128xf32, #tpu.memory_space<vmem_shared>>)
        tpu.yield
      }) : () -> ()
      %run_scoped3A_171 = arith.constant 0 : i32
      "tpu.region"() ({
        %run_scoped3A_236 = tpu.sem_alloc : memref<!tpu.dma_semaphore, #tpu.memory_space<semaphore_mem>>
        %dma_start3A_237 = arith.constant 0 : i32
        %dma_start3A_238 = tpu.memref_slice %arg9[%run_scoped3A_171, %dma_start3A_237] : memref<2x40xi32, #tpu.memory_space<vmem>> -> memref<1x40xi32, #tpu.memory_space<vmem>>
        %dma_start3A_239 = tpu.memref_squeeze %dma_start3A_238 : memref<1x40xi32, #tpu.memory_space<vmem>> -> memref<40xi32, #tpu.memory_space<vmem>>
        %dma_start3A_240 = arith.constant 0 : i32
        %dma_start3A_241 = tpu.memref_slice %arg15[%dma_start3A_240] : memref<10240xf32, #tpu.memory_space<vmem_shared>> -> memref<10240xf32, #tpu.memory_space<vmem_shared>>
        tpu.enqueue_indirect_dma source(%arg12 : memref<40xf32, #tpu.memory_space<vmem>>) target(%dma_start3A_241 : memref<10240xf32, #tpu.memory_space<vmem_shared>>) offsets(%dma_start3A_239 : memref<40xi32, #tpu.memory_space<vmem>>) semaphore(%run_scoped3A_236 : memref<!tpu.dma_semaphore, #tpu.memory_space<semaphore_mem>>) {add = true}
        %dma_wait3A_242 = arith.constant 0 : i32
        %dma_wait3A_243 = tpu.memref_slice %arg9[%run_scoped3A_171, %dma_wait3A_242] : memref<2x40xi32, #tpu.memory_space<vmem>> -> memref<1x40xi32, #tpu.memory_space<vmem>>
        %dma_wait3A_244 = tpu.memref_squeeze %dma_wait3A_243 : memref<1x40xi32, #tpu.memory_space<vmem>> -> memref<40xi32, #tpu.memory_space<vmem>>
        %dma_wait3A_245 = arith.constant 0 : i32
        %dma_wait3A_246 = tpu.memref_slice %arg15[%dma_wait3A_245] : memref<10240xf32, #tpu.memory_space<vmem_shared>> -> memref<10240xf32, #tpu.memory_space<vmem_shared>>
        tpu.wait_indirect_dma semaphore(%run_scoped3A_236 : memref<!tpu.dma_semaphore, #tpu.memory_space<semaphore_mem>>) src(%arg12 : memref<40xf32, #tpu.memory_space<vmem>>) dst(%dma_wait3A_246 : memref<10240xf32, #tpu.memory_space<vmem_shared>>)
        tpu.yield
      }) : () -> ()
      %mul3A_172 = arith.constant 2 : i32
      %mul3A_173 = arith.muli %add3A_111, %mul3A_172 : i32
      %add3A_174 = arith.constant 1 : i32
      %add3A_175 = arith.addi %mul3A_173, %add3A_174 : i32
      %dma_wait3A_176 = arith.constant 1 : i32
      %dma_wait3A_177 = arith.constant 0 : i32
      %dma_wait3A_178 = tpu.memref_slice %arg9[%dma_wait3A_176, %dma_wait3A_177] : memref<2x40xi32, #tpu.memory_space<vmem>> -> memref<1x40xi32, #tpu.memory_space<vmem>>
      %dma_wait3A_179 = tpu.memref_squeeze %dma_wait3A_178 : memref<1x40xi32, #tpu.memory_space<vmem>> -> memref<40xi32, #tpu.memory_space<vmem>>
      %dma_wait3A_180 = arith.constant 0 : i32
      %dma_wait3A_181 = tpu.memref_slice %arg5[%dma_wait3A_180] : memref<320000xi32, #tpu.memory_space<hbm>> -> memref<40xi32, #tpu.memory_space<hbm>>
      %dma_wait3A_182 = arith.constant 0 : i32
      %dma_wait3A_183 = tpu.memref_slice %arg9[%dma_wait3A_176, %dma_wait3A_182] : memref<2x40xi32, #tpu.memory_space<vmem>> -> memref<1x40xi32, #tpu.memory_space<vmem>>
      %dma_wait3A_184 = tpu.memref_squeeze %dma_wait3A_183 : memref<1x40xi32, #tpu.memory_space<vmem>> -> memref<40xi32, #tpu.memory_space<vmem>>
      %dma_wait3A_185 = arith.constant 0 : i32
      %dma_wait3A_186 = tpu.memref_slice %arg5[%dma_wait3A_185] : memref<320000xi32, #tpu.memory_space<hbm>> -> memref<40xi32, #tpu.memory_space<hbm>>
      tpu.wait_dma2 semaphore(%arg19 : memref<!tpu.dma_semaphore, #tpu.memory_space<semaphore_mem>>) src(%dma_wait3A_186 : memref<40xi32, #tpu.memory_space<hbm>>) dst(%dma_wait3A_184 : memref<40xi32, #tpu.memory_space<vmem>>)
      %dma_wait3A_187 = arith.constant 1 : i32
      %dma_wait3A_188 = arith.constant 0 : i32
      %dma_wait3A_189 = arith.constant 0 : i32
      %dma_wait3A_190 = tpu.memref_slice %arg11[%dma_wait3A_187, %dma_wait3A_188, %dma_wait3A_189] : memref<2x40x128xf32, #tpu.memory_space<vmem>> -> memref<1x40x128xf32, #tpu.memory_space<vmem>>
      %dma_wait3A_191 = tpu.memref_squeeze %dma_wait3A_190 : memref<1x40x128xf32, #tpu.memory_space<vmem>> -> memref<40x128xf32, #tpu.memory_space<vmem>>
      %dma_wait3A_192 = arith.constant 0 : i32
      %dma_wait3A_193 = arith.constant 0 : i32
      %dma_wait3A_194 = tpu.memref_slice %arg3[%dma_wait3A_192, %dma_wait3A_193] : memref<320000x128xf32, #tpu.memory_space<hbm>> -> memref<40x128xf32, #tpu.memory_space<hbm>>
      %dma_wait3A_195 = arith.constant 0 : i32
      %dma_wait3A_196 = arith.constant 0 : i32
      %dma_wait3A_197 = tpu.memref_slice %arg11[%dma_wait3A_187, %dma_wait3A_195, %dma_wait3A_196] : memref<2x40x128xf32, #tpu.memory_space<vmem>> -> memref<1x40x128xf32, #tpu.memory_space<vmem>>
      %dma_wait3A_198 = tpu.memref_squeeze %dma_wait3A_197 : memref<1x40x128xf32, #tpu.memory_space<vmem>> -> memref<40x128xf32, #tpu.memory_space<vmem>>
      %dma_wait3A_199 = arith.constant 0 : i32
      %dma_wait3A_200 = arith.constant 0 : i32
      %dma_wait3A_201 = tpu.memref_slice %arg3[%dma_wait3A_199, %dma_wait3A_200] : memref<320000x128xf32, #tpu.memory_space<hbm>> -> memref<40x128xf32, #tpu.memory_space<hbm>>
      tpu.wait_dma2 semaphore(%arg21 : memref<!tpu.dma_semaphore, #tpu.memory_space<semaphore_mem>>) src(%dma_wait3A_201 : memref<40x128xf32, #tpu.memory_space<hbm>>) dst(%dma_wait3A_198 : memref<40x128xf32, #tpu.memory_space<vmem>>)
      %add3A_202 = arith.constant 1 : i32
      %add3A_203 = arith.addi %add3A_175, %add3A_202 : i32
      %lt3A_204 = arith.constant 250 : i32
      %lt3A_205 = arith.cmpi slt, %add3A_203, %lt3A_204 : i32
      %convert_element_type3A_206 = arith.extui %lt3A_205 : i1 to i32
      %cond3A_207 = arith.constant 0 : i32
      %cond3A_208 = arith.cmpi ne, %convert_element_type3A_206, %cond3A_207 : i32
      scf.if %cond3A_208 {
        %add3A_236 = arith.constant 1 : i32
        %add3A_237 = arith.addi %add3A_175, %add3A_236 : i32
        %mul3A_238 = arith.constant 10000 : i32
        %mul3A_239 = arith.muli %add3A, %mul3A_238 : i32
        %mul3A_240 = arith.constant 40 : i32
        %mul3A_241 = arith.muli %add3A_237, %mul3A_240 : i32
        %add3A_242 = arith.addi %mul3A_239, %mul3A_241 : i32
        %dma_start3A_243 = arith.constant 0 : i32
        %dma_start3A_244 = arith.constant 0 : i32
        %dma_start3A_245 = tpu.memref_slice %arg8[%dma_start3A_243, %dma_start3A_244] : memref<2x40xi32, #tpu.memory_space<vmem>> -> memref<1x40xi32, #tpu.memory_space<vmem>>
        %dma_start3A_246 = tpu.memref_squeeze %dma_start3A_245 : memref<1x40xi32, #tpu.memory_space<vmem>> -> memref<40xi32, #tpu.memory_space<vmem>>
        %dma_start3A_247 = tpu.memref_slice %arg4[%add3A_242] : memref<320000xi32, #tpu.memory_space<hbm>> -> memref<40xi32, #tpu.memory_space<hbm>>
        %dma_start3A_248 = arith.constant 0 : i32
        %dma_start3A_249 = tpu.memref_slice %arg8[%dma_start3A_243, %dma_start3A_248] : memref<2x40xi32, #tpu.memory_space<vmem>> -> memref<1x40xi32, #tpu.memory_space<vmem>>
        %dma_start3A_250 = tpu.memref_squeeze %dma_start3A_249 : memref<1x40xi32, #tpu.memory_space<vmem>> -> memref<40xi32, #tpu.memory_space<vmem>>
        %dma_start3A_251 = tpu.memref_slice %arg4[%add3A_242] : memref<320000xi32, #tpu.memory_space<hbm>> -> memref<40xi32, #tpu.memory_space<hbm>>
        tpu.enqueue_dma source(%dma_start3A_251 : memref<40xi32, #tpu.memory_space<hbm>>) target(%dma_start3A_250 : memref<40xi32, #tpu.memory_space<vmem>>) target_semaphore(%arg16 : memref<!tpu.dma_semaphore, #tpu.memory_space<semaphore_mem>>)
        %dma_start3A_252 = arith.constant 0 : i32
        %dma_start3A_253 = arith.constant 0 : i32
        %dma_start3A_254 = tpu.memref_slice %arg9[%dma_start3A_252, %dma_start3A_253] : memref<2x40xi32, #tpu.memory_space<vmem>> -> memref<1x40xi32, #tpu.memory_space<vmem>>
        %dma_start3A_255 = tpu.memref_squeeze %dma_start3A_254 : memref<1x40xi32, #tpu.memory_space<vmem>> -> memref<40xi32, #tpu.memory_space<vmem>>
        %dma_start3A_256 = tpu.memref_slice %arg5[%add3A_242] : memref<320000xi32, #tpu.memory_space<hbm>> -> memref<40xi32, #tpu.memory_space<hbm>>
        %dma_start3A_257 = arith.constant 0 : i32
        %dma_start3A_258 = tpu.memref_slice %arg9[%dma_start3A_252, %dma_start3A_257] : memref<2x40xi32, #tpu.memory_space<vmem>> -> memref<1x40xi32, #tpu.memory_space<vmem>>
        %dma_start3A_259 = tpu.memref_squeeze %dma_start3A_258 : memref<1x40xi32, #tpu.memory_space<vmem>> -> memref<40xi32, #tpu.memory_space<vmem>>
        %dma_start3A_260 = tpu.memref_slice %arg5[%add3A_242] : memref<320000xi32, #tpu.memory_space<hbm>> -> memref<40xi32, #tpu.memory_space<hbm>>
        tpu.enqueue_dma source(%dma_start3A_260 : memref<40xi32, #tpu.memory_space<hbm>>) target(%dma_start3A_259 : memref<40xi32, #tpu.memory_space<vmem>>) target_semaphore(%arg18 : memref<!tpu.dma_semaphore, #tpu.memory_space<semaphore_mem>>)
        %dma_start3A_261 = arith.constant 0 : i32
        %dma_start3A_262 = arith.constant 0 : i32
        %dma_start3A_263 = arith.constant 0 : i32
        %dma_start3A_264 = tpu.memref_slice %arg11[%dma_start3A_261, %dma_start3A_262, %dma_start3A_263] : memref<2x40x128xf32, #tpu.memory_space<vmem>> -> memref<1x40x128xf32, #tpu.memory_space<vmem>>
        %dma_start3A_265 = tpu.memref_squeeze %dma_start3A_264 : memref<1x40x128xf32, #tpu.memory_space<vmem>> -> memref<40x128xf32, #tpu.memory_space<vmem>>
        %dma_start3A_266 = arith.constant 0 : i32
        %dma_start3A_267 = tpu.memref_slice %arg3[%add3A_242, %dma_start3A_266] : memref<320000x128xf32, #tpu.memory_space<hbm>> -> memref<40x128xf32, #tpu.memory_space<hbm>>
        %dma_start3A_268 = arith.constant 0 : i32
        %dma_start3A_269 = arith.constant 0 : i32
        %dma_start3A_270 = tpu.memref_slice %arg11[%dma_start3A_261, %dma_start3A_268, %dma_start3A_269] : memref<2x40x128xf32, #tpu.memory_space<vmem>> -> memref<1x40x128xf32, #tpu.memory_space<vmem>>
        %dma_start3A_271 = tpu.memref_squeeze %dma_start3A_270 : memref<1x40x128xf32, #tpu.memory_space<vmem>> -> memref<40x128xf32, #tpu.memory_space<vmem>>
        %dma_start3A_272 = arith.constant 0 : i32
        %dma_start3A_273 = tpu.memref_slice %arg3[%add3A_242, %dma_start3A_272] : memref<320000x128xf32, #tpu.memory_space<hbm>> -> memref<40x128xf32, #tpu.memory_space<hbm>>
        tpu.enqueue_dma source(%dma_start3A_273 : memref<40x128xf32, #tpu.memory_space<hbm>>) target(%dma_start3A_271 : memref<40x128xf32, #tpu.memory_space<vmem>>) target_semaphore(%arg20 : memref<!tpu.dma_semaphore, #tpu.memory_space<semaphore_mem>>)
      } else {
      }
      %dma_wait3A_209 = arith.constant 1 : i32
      %dma_wait3A_210 = arith.constant 1 : i32
      %dma_wait3A_211 = arith.constant 0 : i32
      %dma_wait3A_212 = arith.constant 0 : i32
      %dma_wait3A_213 = tpu.memref_slice %arg10[%dma_wait3A_210, %dma_wait3A_211, %dma_wait3A_212] : memref<2x40x128xf32, #tpu.memory_space<vmem>> -> memref<1x40x128xf32, #tpu.memory_space<vmem>>
      %dma_wait3A_214 = tpu.memref_squeeze %dma_wait3A_213 : memref<1x40x128xf32, #tpu.memory_space<vmem>> -> memref<40x128xf32, #tpu.memory_space<vmem>>
      %dma_wait3A_215 = arith.constant 0 : i32
      %dma_wait3A_216 = tpu.memref_slice %arg8[%dma_wait3A_209, %dma_wait3A_215] : memref<2x40xi32, #tpu.memory_space<vmem>> -> memref<1x40xi32, #tpu.memory_space<vmem>>
      %dma_wait3A_217 = tpu.memref_squeeze %dma_wait3A_216 : memref<1x40xi32, #tpu.memory_space<vmem>> -> memref<40xi32, #tpu.memory_space<vmem>>
      %dma_wait3A_218 = arith.constant 0 : i32
      %dma_wait3A_219 = arith.constant 0 : i32
      %dma_wait3A_220 = tpu.memref_slice %arg2[%dma_wait3A_218, %dma_wait3A_219] : memref<10000x128xf32, #tpu.memory_space<hbm>> -> memref<10000x128xf32, #tpu.memory_space<hbm>>
      tpu.wait_indirect_dma semaphore(%arg23 : memref<!tpu.dma_semaphore, #tpu.memory_space<semaphore_mem>>) src(%dma_wait3A_220 : memref<10000x128xf32, #tpu.memory_space<hbm>>) dst(%dma_wait3A_214 : memref<40x128xf32, #tpu.memory_space<vmem>>)
      %add3A_221 = arith.constant 1 : i32
      %add3A_222 = arith.addi %add3A_175, %add3A_221 : i32
      %lt3A_223 = arith.constant 250 : i32
      %lt3A_224 = arith.cmpi slt, %add3A_222, %lt3A_223 : i32
      %convert_element_type3A_225 = arith.extui %lt3A_224 : i1 to i32
      %cond3A_226 = arith.constant 0 : i32
      %cond3A_227 = arith.cmpi ne, %convert_element_type3A_225, %cond3A_226 : i32
      scf.if %cond3A_227 {
        %dma_wait3A_236 = arith.constant 0 : i32
        %dma_wait3A_237 = arith.constant 0 : i32
        %dma_wait3A_238 = tpu.memref_slice %arg8[%dma_wait3A_236, %dma_wait3A_237] : memref<2x40xi32, #tpu.memory_space<vmem>> -> memref<1x40xi32, #tpu.memory_space<vmem>>
        %dma_wait3A_239 = tpu.memref_squeeze %dma_wait3A_238 : memref<1x40xi32, #tpu.memory_space<vmem>> -> memref<40xi32, #tpu.memory_space<vmem>>
        %dma_wait3A_240 = arith.constant 0 : i32
        %dma_wait3A_241 = tpu.memref_slice %arg4[%dma_wait3A_240] : memref<320000xi32, #tpu.memory_space<hbm>> -> memref<40xi32, #tpu.memory_space<hbm>>
        %dma_wait3A_242 = arith.constant 0 : i32
        %dma_wait3A_243 = tpu.memref_slice %arg8[%dma_wait3A_236, %dma_wait3A_242] : memref<2x40xi32, #tpu.memory_space<vmem>> -> memref<1x40xi32, #tpu.memory_space<vmem>>
        %dma_wait3A_244 = tpu.memref_squeeze %dma_wait3A_243 : memref<1x40xi32, #tpu.memory_space<vmem>> -> memref<40xi32, #tpu.memory_space<vmem>>
        %dma_wait3A_245 = arith.constant 0 : i32
        %dma_wait3A_246 = tpu.memref_slice %arg4[%dma_wait3A_245] : memref<320000xi32, #tpu.memory_space<hbm>> -> memref<40xi32, #tpu.memory_space<hbm>>
        tpu.wait_dma2 semaphore(%arg16 : memref<!tpu.dma_semaphore, #tpu.memory_space<semaphore_mem>>) src(%dma_wait3A_246 : memref<40xi32, #tpu.memory_space<hbm>>) dst(%dma_wait3A_244 : memref<40xi32, #tpu.memory_space<vmem>>)
        %dma_start3A_247 = arith.constant 0 : i32
        %dma_start3A_248 = arith.constant 0 : i32
        %dma_start3A_249 = arith.constant 0 : i32
        %dma_start3A_250 = arith.constant 0 : i32
        %dma_start3A_251 = tpu.memref_slice %arg10[%dma_start3A_248, %dma_start3A_249, %dma_start3A_250] : memref<2x40x128xf32, #tpu.memory_space<vmem>> -> memref<1x40x128xf32, #tpu.memory_space<vmem>>
        %dma_start3A_252 = tpu.memref_squeeze %dma_start3A_251 : memref<1x40x128xf32, #tpu.memory_space<vmem>> -> memref<40x128xf32, #tpu.memory_space<vmem>>
        %dma_start3A_253 = arith.constant 0 : i32
        %dma_start3A_254 = tpu.memref_slice %arg8[%dma_start3A_247, %dma_start3A_253] : memref<2x40xi32, #tpu.memory_space<vmem>> -> memref<1x40xi32, #tpu.memory_space<vmem>>
        %dma_start3A_255 = tpu.memref_squeeze %dma_start3A_254 : memref<1x40xi32, #tpu.memory_space<vmem>> -> memref<40xi32, #tpu.memory_space<vmem>>
        %dma_start3A_256 = arith.constant 0 : i32
        %dma_start3A_257 = arith.constant 0 : i32
        %dma_start3A_258 = tpu.memref_slice %arg2[%dma_start3A_256, %dma_start3A_257] : memref<10000x128xf32, #tpu.memory_space<hbm>> -> memref<10000x128xf32, #tpu.memory_space<hbm>>
        tpu.enqueue_indirect_dma source(%dma_start3A_258 : memref<10000x128xf32, #tpu.memory_space<hbm>>) target(%dma_start3A_252 : memref<40x128xf32, #tpu.memory_space<vmem>>) offsets(%dma_start3A_255 : memref<40xi32, #tpu.memory_space<vmem>>) semaphore(%arg22 : memref<!tpu.dma_semaphore, #tpu.memory_space<semaphore_mem>>)
      } else {
      }
      %scan3A_228 = arith.constant 0 : i32
      %scan3A_229 = arith.constant 40 : i32
      %scan3A_230 = arith.addi %scan3A_228, %scan3A_229 : i32
      %scan3A_231 = arith.constant 1 : i32
      scf.for %scan3A_236 = %scan3A_228 to %scan3A_230 step %scan3A_231  : i32 {
        %mul3A_237 = arith.constant 1 : i32
        %mul3A_238 = arith.muli %scan3A_236, %mul3A_237 : i32
        %add3A_239 = arith.constant 0 : i32
        %add3A_240 = arith.addi %add3A_239, %mul3A_238 : i32
        %get3A = arith.constant 1 : i32
        %get3A_241 = arith.index_cast %get3A : i32 to index
        %get3A_242 = arith.index_cast %add3A_240 : i32 to index
        %get3A_243 = arith.constant 0 : index
        %get3A_244 = tpu.vector_load %arg10[%get3A_241, %get3A_242, %get3A_243] {strides = array<i32>} : memref<2x40x128xf32, #tpu.memory_space<vmem>>, vector<1x1x16xf32>,
        %get3A_245 = vector.shape_cast %get3A_244 : vector<1x1x16xf32> to vector<16xf32>
        %get3A_246 = arith.constant 1 : i32
        %get3A_247 = arith.index_cast %get3A_246 : i32 to index
        %get3A_248 = arith.index_cast %add3A_240 : i32 to index
        %get3A_249 = arith.constant 0 : index
        %get3A_250 = tpu.vector_load %arg11[%get3A_247, %get3A_248, %get3A_249] {strides = array<i32>} : memref<2x40x128xf32, #tpu.memory_space<vmem>>, vector<1x1x16xf32>,
        %get3A_251 = vector.shape_cast %get3A_250 : vector<1x1x16xf32> to vector<16xf32>
        %add3A_252 = arith.addf %get3A_245, %get3A_251 : vector<16xf32>
        %max3A = arith.constant 0.000000e+00 : f32
        %max3A_253 = vector.broadcast %max3A : f32 to vector<16xf32>
        %max3A_254 = arith.maximumf %add3A_252, %max3A_253 : vector<16xf32>
        %swap3A_255 = arith.constant 1 : i32
        %swap3A_256 = arith.index_cast %swap3A_255 : i32 to index
        %swap3A_257 = arith.index_cast %add3A_240 : i32 to index
        %swap3A_258 = arith.constant 0 : index
        %swap3A_259 = tpu.vector_load %arg10[%swap3A_256, %swap3A_257, %swap3A_258] {strides = array<i32>} : memref<2x40x128xf32, #tpu.memory_space<vmem>>, vector<1x1x16xf32>,
        %swap3A_260 = vector.shape_cast %swap3A_259 : vector<1x1x16xf32> to vector<16xf32>
        %swap3A_261 = vector.shape_cast %max3A_254 : vector<16xf32> to vector<1x1x16xf32>
        tpu.vector_store %arg10[%swap3A_256, %swap3A_257, %swap3A_258], %swap3A_261 {strides = array<i32>} : memref<2x40x128xf32, #tpu.memory_space<vmem>>, vector<1x1x16xf32>,
        %get3A_262 = arith.constant 1 : i32
        %get3A_263 = arith.index_cast %get3A_262 : i32 to index
        %get3A_264 = arith.index_cast %add3A_240 : i32 to index
        %get3A_265 = arith.constant 16 : index
        %get3A_266 = tpu.vector_load %arg10[%get3A_263, %get3A_264, %get3A_265] {strides = array<i32>} : memref<2x40x128xf32, #tpu.memory_space<vmem>>, vector<1x1x16xf32>,
        %get3A_267 = vector.shape_cast %get3A_266 : vector<1x1x16xf32> to vector<16xf32>
        %get3A_268 = arith.constant 1 : i32
        %get3A_269 = arith.index_cast %get3A_268 : i32 to index
        %get3A_270 = arith.index_cast %add3A_240 : i32 to index
        %get3A_271 = arith.constant 16 : index
        %get3A_272 = tpu.vector_load %arg11[%get3A_269, %get3A_270, %get3A_271] {strides = array<i32>} : memref<2x40x128xf32, #tpu.memory_space<vmem>>, vector<1x1x16xf32>,
        %get3A_273 = vector.shape_cast %get3A_272 : vector<1x1x16xf32> to vector<16xf32>
        %add3A_274 = arith.addf %get3A_267, %get3A_273 : vector<16xf32>
        %max3A_275 = arith.constant 0.000000e+00 : f32
        %max3A_276 = vector.broadcast %max3A_275 : f32 to vector<16xf32>
        %max3A_277 = arith.maximumf %add3A_274, %max3A_276 : vector<16xf32>
        %swap3A_278 = arith.constant 1 : i32
        %swap3A_279 = arith.index_cast %swap3A_278 : i32 to index
        %swap3A_280 = arith.index_cast %add3A_240 : i32 to index
        %swap3A_281 = arith.constant 16 : index
        %swap3A_282 = tpu.vector_load %arg10[%swap3A_279, %swap3A_280, %swap3A_281] {strides = array<i32>} : memref<2x40x128xf32, #tpu.memory_space<vmem>>, vector<1x1x16xf32>,
        %swap3A_283 = vector.shape_cast %swap3A_282 : vector<1x1x16xf32> to vector<16xf32>
        %swap3A_284 = vector.shape_cast %max3A_277 : vector<16xf32> to vector<1x1x16xf32>
        tpu.vector_store %arg10[%swap3A_279, %swap3A_280, %swap3A_281], %swap3A_284 {strides = array<i32>} : memref<2x40x128xf32, #tpu.memory_space<vmem>>, vector<1x1x16xf32>,
        %get3A_285 = arith.constant 1 : i32
        %get3A_286 = arith.index_cast %get3A_285 : i32 to index
        %get3A_287 = arith.index_cast %add3A_240 : i32 to index
        %get3A_288 = arith.constant 32 : index
        %get3A_289 = tpu.vector_load %arg10[%get3A_286, %get3A_287, %get3A_288] {strides = array<i32>} : memref<2x40x128xf32, #tpu.memory_space<vmem>>, vector<1x1x16xf32>,
        %get3A_290 = vector.shape_cast %get3A_289 : vector<1x1x16xf32> to vector<16xf32>
        %get3A_291 = arith.constant 1 : i32
        %get3A_292 = arith.index_cast %get3A_291 : i32 to index
        %get3A_293 = arith.index_cast %add3A_240 : i32 to index
        %get3A_294 = arith.constant 32 : index
        %get3A_295 = tpu.vector_load %arg11[%get3A_292, %get3A_293, %get3A_294] {strides = array<i32>} : memref<2x40x128xf32, #tpu.memory_space<vmem>>, vector<1x1x16xf32>,
        %get3A_296 = vector.shape_cast %get3A_295 : vector<1x1x16xf32> to vector<16xf32>
        %add3A_297 = arith.addf %get3A_290, %get3A_296 : vector<16xf32>
        %max3A_298 = arith.constant 0.000000e+00 : f32
        %max3A_299 = vector.broadcast %max3A_298 : f32 to vector<16xf32>
        %max3A_300 = arith.maximumf %add3A_297, %max3A_299 : vector<16xf32>
        %swap3A_301 = arith.constant 1 : i32
        %swap3A_302 = arith.index_cast %swap3A_301 : i32 to index
        %swap3A_303 = arith.index_cast %add3A_240 : i32 to index
        %swap3A_304 = arith.constant 32 : index
        %swap3A_305 = tpu.vector_load %arg10[%swap3A_302, %swap3A_303, %swap3A_304] {strides = array<i32>} : memref<2x40x128xf32, #tpu.memory_space<vmem>>, vector<1x1x16xf32>,
        %swap3A_306 = vector.shape_cast %swap3A_305 : vector<1x1x16xf32> to vector<16xf32>
        %swap3A_307 = vector.shape_cast %max3A_300 : vector<16xf32> to vector<1x1x16xf32>
        tpu.vector_store %arg10[%swap3A_302, %swap3A_303, %swap3A_304], %swap3A_307 {strides = array<i32>} : memref<2x40x128xf32, #tpu.memory_space<vmem>>, vector<1x1x16xf32>,
        %get3A_308 = arith.constant 1 : i32
        %get3A_309 = arith.index_cast %get3A_308 : i32 to index
        %get3A_310 = arith.index_cast %add3A_240 : i32 to index
        %get3A_311 = arith.constant 48 : index
        %get3A_312 = tpu.vector_load %arg10[%get3A_309, %get3A_310, %get3A_311] {strides = array<i32>} : memref<2x40x128xf32, #tpu.memory_space<vmem>>, vector<1x1x16xf32>,
        %get3A_313 = vector.shape_cast %get3A_312 : vector<1x1x16xf32> to vector<16xf32>
        %get3A_314 = arith.constant 1 : i32
        %get3A_315 = arith.index_cast %get3A_314 : i32 to index
        %get3A_316 = arith.index_cast %add3A_240 : i32 to index
        %get3A_317 = arith.constant 48 : index
        %get3A_318 = tpu.vector_load %arg11[%get3A_315, %get3A_316, %get3A_317] {strides = array<i32>} : memref<2x40x128xf32, #tpu.memory_space<vmem>>, vector<1x1x16xf32>,
        %get3A_319 = vector.shape_cast %get3A_318 : vector<1x1x16xf32> to vector<16xf32>
        %add3A_320 = arith.addf %get3A_313, %get3A_319 : vector<16xf32>
        %max3A_321 = arith.constant 0.000000e+00 : f32
        %max3A_322 = vector.broadcast %max3A_321 : f32 to vector<16xf32>
        %max3A_323 = arith.maximumf %add3A_320, %max3A_322 : vector<16xf32>
        %swap3A_324 = arith.constant 1 : i32
        %swap3A_325 = arith.index_cast %swap3A_324 : i32 to index
        %swap3A_326 = arith.index_cast %add3A_240 : i32 to index
        %swap3A_327 = arith.constant 48 : index
        %swap3A_328 = tpu.vector_load %arg10[%swap3A_325, %swap3A_326, %swap3A_327] {strides = array<i32>} : memref<2x40x128xf32, #tpu.memory_space<vmem>>, vector<1x1x16xf32>,
        %swap3A_329 = vector.shape_cast %swap3A_328 : vector<1x1x16xf32> to vector<16xf32>
        %swap3A_330 = vector.shape_cast %max3A_323 : vector<16xf32> to vector<1x1x16xf32>
        tpu.vector_store %arg10[%swap3A_325, %swap3A_326, %swap3A_327], %swap3A_330 {strides = array<i32>} : memref<2x40x128xf32, #tpu.memory_space<vmem>>, vector<1x1x16xf32>,
        %get3A_331 = arith.constant 1 : i32
        %get3A_332 = arith.index_cast %get3A_331 : i32 to index
        %get3A_333 = arith.index_cast %add3A_240 : i32 to index
        %get3A_334 = arith.constant 64 : index
        %get3A_335 = tpu.vector_load %arg10[%get3A_332, %get3A_333, %get3A_334] {strides = array<i32>} : memref<2x40x128xf32, #tpu.memory_space<vmem>>, vector<1x1x16xf32>,
        %get3A_336 = vector.shape_cast %get3A_335 : vector<1x1x16xf32> to vector<16xf32>
        %get3A_337 = arith.constant 1 : i32
        %get3A_338 = arith.index_cast %get3A_337 : i32 to index
        %get3A_339 = arith.index_cast %add3A_240 : i32 to index
        %get3A_340 = arith.constant 64 : index
        %get3A_341 = tpu.vector_load %arg11[%get3A_338, %get3A_339, %get3A_340] {strides = array<i32>} : memref<2x40x128xf32, #tpu.memory_space<vmem>>, vector<1x1x16xf32>,
        %get3A_342 = vector.shape_cast %get3A_341 : vector<1x1x16xf32> to vector<16xf32>
        %add3A_343 = arith.addf %get3A_336, %get3A_342 : vector<16xf32>
        %max3A_344 = arith.constant 0.000000e+00 : f32
        %max3A_345 = vector.broadcast %max3A_344 : f32 to vector<16xf32>
        %max3A_346 = arith.maximumf %add3A_343, %max3A_345 : vector<16xf32>
        %swap3A_347 = arith.constant 1 : i32
        %swap3A_348 = arith.index_cast %swap3A_347 : i32 to index
        %swap3A_349 = arith.index_cast %add3A_240 : i32 to index
        %swap3A_350 = arith.constant 64 : index
        %swap3A_351 = tpu.vector_load %arg10[%swap3A_348, %swap3A_349, %swap3A_350] {strides = array<i32>} : memref<2x40x128xf32, #tpu.memory_space<vmem>>, vector<1x1x16xf32>,
        %swap3A_352 = vector.shape_cast %swap3A_351 : vector<1x1x16xf32> to vector<16xf32>
        %swap3A_353 = vector.shape_cast %max3A_346 : vector<16xf32> to vector<1x1x16xf32>
        tpu.vector_store %arg10[%swap3A_348, %swap3A_349, %swap3A_350], %swap3A_353 {strides = array<i32>} : memref<2x40x128xf32, #tpu.memory_space<vmem>>, vector<1x1x16xf32>,
        %get3A_354 = arith.constant 1 : i32
        %get3A_355 = arith.index_cast %get3A_354 : i32 to index
        %get3A_356 = arith.index_cast %add3A_240 : i32 to index
        %get3A_357 = arith.constant 80 : index
        %get3A_358 = tpu.vector_load %arg10[%get3A_355, %get3A_356, %get3A_357] {strides = array<i32>} : memref<2x40x128xf32, #tpu.memory_space<vmem>>, vector<1x1x16xf32>,
        %get3A_359 = vector.shape_cast %get3A_358 : vector<1x1x16xf32> to vector<16xf32>
        %get3A_360 = arith.constant 1 : i32
        %get3A_361 = arith.index_cast %get3A_360 : i32 to index
        %get3A_362 = arith.index_cast %add3A_240 : i32 to index
        %get3A_363 = arith.constant 80 : index
        %get3A_364 = tpu.vector_load %arg11[%get3A_361, %get3A_362, %get3A_363] {strides = array<i32>} : memref<2x40x128xf32, #tpu.memory_space<vmem>>, vector<1x1x16xf32>,
        %get3A_365 = vector.shape_cast %get3A_364 : vector<1x1x16xf32> to vector<16xf32>
        %add3A_366 = arith.addf %get3A_359, %get3A_365 : vector<16xf32>
        %max3A_367 = arith.constant 0.000000e+00 : f32
        %max3A_368 = vector.broadcast %max3A_367 : f32 to vector<16xf32>
        %max3A_369 = arith.maximumf %add3A_366, %max3A_368 : vector<16xf32>
        %swap3A_370 = arith.constant 1 : i32
        %swap3A_371 = arith.index_cast %swap3A_370 : i32 to index
        %swap3A_372 = arith.index_cast %add3A_240 : i32 to index
        %swap3A_373 = arith.constant 80 : index
        %swap3A_374 = tpu.vector_load %arg10[%swap3A_371, %swap3A_372, %swap3A_373] {strides = array<i32>} : memref<2x40x128xf32, #tpu.memory_space<vmem>>, vector<1x1x16xf32>,
        %swap3A_375 = vector.shape_cast %swap3A_374 : vector<1x1x16xf32> to vector<16xf32>
        %swap3A_376 = vector.shape_cast %max3A_369 : vector<16xf32> to vector<1x1x16xf32>
        tpu.vector_store %arg10[%swap3A_371, %swap3A_372, %swap3A_373], %swap3A_376 {strides = array<i32>} : memref<2x40x128xf32, #tpu.memory_space<vmem>>, vector<1x1x16xf32>,
        %get3A_377 = arith.constant 1 : i32
        %get3A_378 = arith.index_cast %get3A_377 : i32 to index
        %get3A_379 = arith.index_cast %add3A_240 : i32 to index
        %get3A_380 = arith.constant 96 : index
        %get3A_381 = tpu.vector_load %arg10[%get3A_378, %get3A_379, %get3A_380] {strides = array<i32>} : memref<2x40x128xf32, #tpu.memory_space<vmem>>, vector<1x1x16xf32>,
        %get3A_382 = vector.shape_cast %get3A_381 : vector<1x1x16xf32> to vector<16xf32>
        %get3A_383 = arith.constant 1 : i32
        %get3A_384 = arith.index_cast %get3A_383 : i32 to index
        %get3A_385 = arith.index_cast %add3A_240 : i32 to index
        %get3A_386 = arith.constant 96 : index
        %get3A_387 = tpu.vector_load %arg11[%get3A_384, %get3A_385, %get3A_386] {strides = array<i32>} : memref<2x40x128xf32, #tpu.memory_space<vmem>>, vector<1x1x16xf32>,
        %get3A_388 = vector.shape_cast %get3A_387 : vector<1x1x16xf32> to vector<16xf32>
        %add3A_389 = arith.addf %get3A_382, %get3A_388 : vector<16xf32>
        %max3A_390 = arith.constant 0.000000e+00 : f32
        %max3A_391 = vector.broadcast %max3A_390 : f32 to vector<16xf32>
        %max3A_392 = arith.maximumf %add3A_389, %max3A_391 : vector<16xf32>
        %swap3A_393 = arith.constant 1 : i32
        %swap3A_394 = arith.index_cast %swap3A_393 : i32 to index
        %swap3A_395 = arith.index_cast %add3A_240 : i32 to index
        %swap3A_396 = arith.constant 96 : index
        %swap3A_397 = tpu.vector_load %arg10[%swap3A_394, %swap3A_395, %swap3A_396] {strides = array<i32>} : memref<2x40x128xf32, #tpu.memory_space<vmem>>, vector<1x1x16xf32>,
        %swap3A_398 = vector.shape_cast %swap3A_397 : vector<1x1x16xf32> to vector<16xf32>
        %swap3A_399 = vector.shape_cast %max3A_392 : vector<16xf32> to vector<1x1x16xf32>
        tpu.vector_store %arg10[%swap3A_394, %swap3A_395, %swap3A_396], %swap3A_399 {strides = array<i32>} : memref<2x40x128xf32, #tpu.memory_space<vmem>>, vector<1x1x16xf32>,
        %get3A_400 = arith.constant 1 : i32
        %get3A_401 = arith.index_cast %get3A_400 : i32 to index
        %get3A_402 = arith.index_cast %add3A_240 : i32 to index
        %get3A_403 = arith.constant 112 : index
        %get3A_404 = tpu.vector_load %arg10[%get3A_401, %get3A_402, %get3A_403] {strides = array<i32>} : memref<2x40x128xf32, #tpu.memory_space<vmem>>, vector<1x1x16xf32>,
        %get3A_405 = vector.shape_cast %get3A_404 : vector<1x1x16xf32> to vector<16xf32>
        %get3A_406 = arith.constant 1 : i32
        %get3A_407 = arith.index_cast %get3A_406 : i32 to index
        %get3A_408 = arith.index_cast %add3A_240 : i32 to index
        %get3A_409 = arith.constant 112 : index
        %get3A_410 = tpu.vector_load %arg11[%get3A_407, %get3A_408, %get3A_409] {strides = array<i32>} : memref<2x40x128xf32, #tpu.memory_space<vmem>>, vector<1x1x16xf32>,
        %get3A_411 = vector.shape_cast %get3A_410 : vector<1x1x16xf32> to vector<16xf32>
        %add3A_412 = arith.addf %get3A_405, %get3A_411 : vector<16xf32>
        %max3A_413 = arith.constant 0.000000e+00 : f32
        %max3A_414 = vector.broadcast %max3A_413 : f32 to vector<16xf32>
        %max3A_415 = arith.maximumf %add3A_412, %max3A_414 : vector<16xf32>
        %swap3A_416 = arith.constant 1 : i32
        %swap3A_417 = arith.index_cast %swap3A_416 : i32 to index
        %swap3A_418 = arith.index_cast %add3A_240 : i32 to index
        %swap3A_419 = arith.constant 112 : index
        %swap3A_420 = tpu.vector_load %arg10[%swap3A_417, %swap3A_418, %swap3A_419] {strides = array<i32>} : memref<2x40x128xf32, #tpu.memory_space<vmem>>, vector<1x1x16xf32>,
        %swap3A_421 = vector.shape_cast %swap3A_420 : vector<1x1x16xf32> to vector<16xf32>
        %swap3A_422 = vector.shape_cast %max3A_415 : vector<16xf32> to vector<1x1x16xf32>
        tpu.vector_store %arg10[%swap3A_417, %swap3A_418, %swap3A_419], %swap3A_422 {strides = array<i32>} : memref<2x40x128xf32, #tpu.memory_space<vmem>>, vector<1x1x16xf32>,
      }
      %scan3A_232 = arith.constant 40 : i32
      %run_scoped3A_233 = arith.constant 1 : i32
      %run_scoped3A_234 = arith.constant 1 : i32
      "tpu.region"() ({
        %run_scoped3A_236 = tpu.sem_alloc : memref<!tpu.dma_semaphore, #tpu.memory_space<semaphore_mem>>
        %dma_start3A_237 = arith.constant 0 : i32
        %dma_start3A_238 = arith.constant 0 : i32
        %dma_start3A_239 = tpu.memref_slice %arg10[%run_scoped3A_233, %dma_start3A_237, %dma_start3A_238] : memref<2x40x128xf32, #tpu.memory_space<vmem>> -> memref<1x40x128xf32, #tpu.memory_space<vmem>>
        %dma_start3A_240 = tpu.memref_squeeze %dma_start3A_239 : memref<1x40x128xf32, #tpu.memory_space<vmem>> -> memref<40x128xf32, #tpu.memory_space<vmem>>
        %dma_start3A_241 = arith.constant 0 : i32
        %dma_start3A_242 = tpu.memref_slice %arg9[%run_scoped3A_234, %dma_start3A_241] : memref<2x40xi32, #tpu.memory_space<vmem>> -> memref<1x40xi32, #tpu.memory_space<vmem>>
        %dma_start3A_243 = tpu.memref_squeeze %dma_start3A_242 : memref<1x40xi32, #tpu.memory_space<vmem>> -> memref<40xi32, #tpu.memory_space<vmem>>
        %dma_start3A_244 = arith.constant 0 : i32
        %dma_start3A_245 = arith.constant 0 : i32
        %dma_start3A_246 = tpu.memref_slice %arg14[%dma_start3A_244, %dma_start3A_245] : memref<10240x128xf32, #tpu.memory_space<vmem_shared>> -> memref<10240x128xf32, #tpu.memory_space<vmem_shared>>
        tpu.enqueue_indirect_dma source(%dma_start3A_240 : memref<40x128xf32, #tpu.memory_space<vmem>>) target(%dma_start3A_246 : memref<10240x128xf32, #tpu.memory_space<vmem_shared>>) offsets(%dma_start3A_243 : memref<40xi32, #tpu.memory_space<vmem>>) semaphore(%run_scoped3A_236 : memref<!tpu.dma_semaphore, #tpu.memory_space<semaphore_mem>>) {add = true}
        %dma_wait3A_247 = arith.constant 0 : i32
        %dma_wait3A_248 = arith.constant 0 : i32
        %dma_wait3A_249 = tpu.memref_slice %arg10[%run_scoped3A_233, %dma_wait3A_247, %dma_wait3A_248] : memref<2x40x128xf32, #tpu.memory_space<vmem>> -> memref<1x40x128xf32, #tpu.memory_space<vmem>>
        %dma_wait3A_250 = tpu.memref_squeeze %dma_wait3A_249 : memref<1x40x128xf32, #tpu.memory_space<vmem>> -> memref<40x128xf32, #tpu.memory_space<vmem>>
        %dma_wait3A_251 = arith.constant 0 : i32
        %dma_wait3A_252 = tpu.memref_slice %arg9[%run_scoped3A_234, %dma_wait3A_251] : memref<2x40xi32, #tpu.memory_space<vmem>> -> memref<1x40xi32, #tpu.memory_space<vmem>>
        %dma_wait3A_253 = tpu.memref_squeeze %dma_wait3A_252 : memref<1x40xi32, #tpu.memory_space<vmem>> -> memref<40xi32, #tpu.memory_space<vmem>>
        %dma_wait3A_254 = arith.constant 0 : i32
        %dma_wait3A_255 = arith.constant 0 : i32
        %dma_wait3A_256 = tpu.memref_slice %arg14[%dma_wait3A_254, %dma_wait3A_255] : memref<10240x128xf32, #tpu.memory_space<vmem_shared>> -> memref<10240x128xf32, #tpu.memory_space<vmem_shared>>
        tpu.wait_indirect_dma semaphore(%run_scoped3A_236 : memref<!tpu.dma_semaphore, #tpu.memory_space<semaphore_mem>>) src(%dma_wait3A_250 : memref<40x128xf32, #tpu.memory_space<vmem>>) dst(%dma_wait3A_256 : memref<10240x128xf32, #tpu.memory_space<vmem_shared>>)
        tpu.yield
      }) : () -> ()
      %run_scoped3A_235 = arith.constant 1 : i32
      "tpu.region"() ({
        %run_scoped3A_236 = tpu.sem_alloc : memref<!tpu.dma_semaphore, #tpu.memory_space<semaphore_mem>>
        %dma_start3A_237 = arith.constant 0 : i32
        %dma_start3A_238 = tpu.memref_slice %arg9[%run_scoped3A_235, %dma_start3A_237] : memref<2x40xi32, #tpu.memory_space<vmem>> -> memref<1x40xi32, #tpu.memory_space<vmem>>
        %dma_start3A_239 = tpu.memref_squeeze %dma_start3A_238 : memref<1x40xi32, #tpu.memory_space<vmem>> -> memref<40xi32, #tpu.memory_space<vmem>>
        %dma_start3A_240 = arith.constant 0 : i32
        %dma_start3A_241 = tpu.memref_slice %arg15[%dma_start3A_240] : memref<10240xf32, #tpu.memory_space<vmem_shared>> -> memref<10240xf32, #tpu.memory_space<vmem_shared>>
        tpu.enqueue_indirect_dma source(%arg12 : memref<40xf32, #tpu.memory_space<vmem>>) target(%dma_start3A_241 : memref<10240xf32, #tpu.memory_space<vmem_shared>>) offsets(%dma_start3A_239 : memref<40xi32, #tpu.memory_space<vmem>>) semaphore(%run_scoped3A_236 : memref<!tpu.dma_semaphore, #tpu.memory_space<semaphore_mem>>) {add = true}
        %dma_wait3A_242 = arith.constant 0 : i32
        %dma_wait3A_243 = tpu.memref_slice %arg9[%run_scoped3A_235, %dma_wait3A_242] : memref<2x40xi32, #tpu.memory_space<vmem>> -> memref<1x40xi32, #tpu.memory_space<vmem>>
        %dma_wait3A_244 = tpu.memref_squeeze %dma_wait3A_243 : memref<1x40xi32, #tpu.memory_space<vmem>> -> memref<40xi32, #tpu.memory_space<vmem>>
        %dma_wait3A_245 = arith.constant 0 : i32
        %dma_wait3A_246 = tpu.memref_slice %arg15[%dma_wait3A_245] : memref<10240xf32, #tpu.memory_space<vmem_shared>> -> memref<10240xf32, #tpu.memory_space<vmem_shared>>
        tpu.wait_indirect_dma semaphore(%run_scoped3A_236 : memref<!tpu.dma_semaphore, #tpu.memory_space<semaphore_mem>>) src(%arg12 : memref<40xf32, #tpu.memory_space<vmem>>) dst(%dma_wait3A_246 : memref<10240xf32, #tpu.memory_space<vmem_shared>>)
        tpu.yield
      }) : () -> ()
    }
    %scan3A_93 = arith.constant 125 : i32
    %barrier3A_94 = arith.constant 0 : index
    tpu.barrier barrier_id(%barrier3A_94)
    %mul3A_95 = arith.constant 10240 : i32
    %mul3A_96 = arith.muli %arg0, %mul3A_95 : i32
    %mul3A_97 = arith.constant 640 : i32
    %mul3A_98 = arith.muli %arg1, %mul3A_97 : i32
    %add3A_99 = arith.addi %mul3A_96, %mul3A_98 : i32
    %scan3A_100 = arith.constant 0 : i32
    %scan3A_101 = arith.constant 16 : i32
    %scan3A_102 = arith.addi %scan3A_100, %scan3A_101 : i32
    %scan3A_103 = arith.constant 1 : i32
    scf.for %scan3A_107 = %scan3A_100 to %scan3A_102 step %scan3A_103  : i32 {
      %mul3A_108 = arith.constant 1 : i32
      %mul3A_109 = arith.muli %scan3A_107, %mul3A_108 : i32
      %add3A_110 = arith.constant 0 : i32
      %add3A_111 = arith.addi %add3A_110, %mul3A_109 : i32
      %mul3A_112 = arith.constant 640 : i32
      %mul3A_113 = arith.muli %arg1, %mul3A_112 : i32
      %mul3A_114 = arith.constant 40 : i32
      %mul3A_115 = arith.muli %add3A_111, %mul3A_114 : i32
      %add3A_116 = arith.addi %mul3A_113, %mul3A_115 : i32
      %run_scoped3A = arith.constant 0 : i32
      "tpu.region"() ({
        %run_scoped3A_121 = tpu.sem_alloc : memref<!tpu.dma_semaphore, #tpu.memory_space<semaphore_mem>>
        %dma_start3A_122 = arith.constant 0 : i32
        %dma_start3A_123 = arith.constant 0 : i32
        %dma_start3A_124 = tpu.memref_slice %arg10[%run_scoped3A, %dma_start3A_122, %dma_start3A_123] : memref<2x40x128xf32, #tpu.memory_space<vmem>> -> memref<1x40x128xf32, #tpu.memory_space<vmem>>
        %dma_start3A_125 = tpu.memref_squeeze %dma_start3A_124 : memref<1x40x128xf32, #tpu.memory_space<vmem>> -> memref<40x128xf32, #tpu.memory_space<vmem>>
        %dma_start3A_126 = arith.constant 0 : i32
        %dma_start3A_127 = tpu.memref_slice %arg14[%add3A_116, %dma_start3A_126] : memref<10240x128xf32, #tpu.memory_space<vmem_shared>> -> memref<40x128xf32, #tpu.memory_space<vmem_shared>>
        %dma_start3A_128 = arith.constant 0 : i32
        %dma_start3A_129 = arith.constant 0 : i32
        %dma_start3A_130 = tpu.memref_slice %arg10[%run_scoped3A, %dma_start3A_128, %dma_start3A_129] : memref<2x40x128xf32, #tpu.memory_space<vmem>> -> memref<1x40x128xf32, #tpu.memory_space<vmem>>
        %dma_start3A_131 = tpu.memref_squeeze %dma_start3A_130 : memref<1x40x128xf32, #tpu.memory_space<vmem>> -> memref<40x128xf32, #tpu.memory_space<vmem>>
        %dma_start3A_132 = arith.constant 0 : i32
        %dma_start3A_133 = tpu.memref_slice %arg14[%add3A_116, %dma_start3A_132] : memref<10240x128xf32, #tpu.memory_space<vmem_shared>> -> memref<40x128xf32, #tpu.memory_space<vmem_shared>>
        tpu.enqueue_dma source(%dma_start3A_133 : memref<40x128xf32, #tpu.memory_space<vmem_shared>>) target(%dma_start3A_131 : memref<40x128xf32, #tpu.memory_space<vmem>>) target_semaphore(%run_scoped3A_121 : memref<!tpu.dma_semaphore, #tpu.memory_space<semaphore_mem>>)
        %dma_wait3A_134 = arith.constant 0 : i32
        %dma_wait3A_135 = arith.constant 0 : i32
        %dma_wait3A_136 = tpu.memref_slice %arg10[%run_scoped3A, %dma_wait3A_134, %dma_wait3A_135] : memref<2x40x128xf32, #tpu.memory_space<vmem>> -> memref<1x40x128xf32, #tpu.memory_space<vmem>>
        %dma_wait3A_137 = tpu.memref_squeeze %dma_wait3A_136 : memref<1x40x128xf32, #tpu.memory_space<vmem>> -> memref<40x128xf32, #tpu.memory_space<vmem>>
        %dma_wait3A_138 = arith.constant 0 : i32
        %dma_wait3A_139 = tpu.memref_slice %arg14[%add3A_116, %dma_wait3A_138] : memref<10240x128xf32, #tpu.memory_space<vmem_shared>> -> memref<40x128xf32, #tpu.memory_space<vmem_shared>>
        %dma_wait3A_140 = arith.constant 0 : i32
        %dma_wait3A_141 = arith.constant 0 : i32
        %dma_wait3A_142 = tpu.memref_slice %arg10[%run_scoped3A, %dma_wait3A_140, %dma_wait3A_141] : memref<2x40x128xf32, #tpu.memory_space<vmem>> -> memref<1x40x128xf32, #tpu.memory_space<vmem>>
        %dma_wait3A_143 = tpu.memref_squeeze %dma_wait3A_142 : memref<1x40x128xf32, #tpu.memory_space<vmem>> -> memref<40x128xf32, #tpu.memory_space<vmem>>
        %dma_wait3A_144 = arith.constant 0 : i32
        %dma_wait3A_145 = tpu.memref_slice %arg14[%add3A_116, %dma_wait3A_144] : memref<10240x128xf32, #tpu.memory_space<vmem_shared>> -> memref<40x128xf32, #tpu.memory_space<vmem_shared>>
        tpu.wait_dma2 semaphore(%run_scoped3A_121 : memref<!tpu.dma_semaphore, #tpu.memory_space<semaphore_mem>>) src(%dma_wait3A_145 : memref<40x128xf32, #tpu.memory_space<vmem_shared>>) dst(%dma_wait3A_143 : memref<40x128xf32, #tpu.memory_space<vmem>>)
        tpu.yield
      }) : () -> ()
      %mul3A_117 = arith.constant 40 : i32
      %mul3A_118 = arith.muli %add3A_111, %mul3A_117 : i32
      %add3A_119 = arith.addi %add3A_99, %mul3A_118 : i32
      %run_scoped3A_120 = arith.constant 0 : i32
      "tpu.region"() ({
        %run_scoped3A_121 = tpu.sem_alloc : memref<!tpu.dma_semaphore, #tpu.memory_space<semaphore_mem>>
        %dma_start3A_122 = arith.constant 0 : i32
        %dma_start3A_123 = arith.constant 0 : i32
        %dma_start3A_124 = tpu.memref_slice %arg10[%run_scoped3A_120, %dma_start3A_122, %dma_start3A_123] : memref<2x40x128xf32, #tpu.memory_space<vmem>> -> memref<1x40x128xf32, #tpu.memory_space<vmem>>
        %dma_start3A_125 = tpu.memref_squeeze %dma_start3A_124 : memref<1x40x128xf32, #tpu.memory_space<vmem>> -> memref<40x128xf32, #tpu.memory_space<vmem>>
        %dma_start3A_126 = arith.constant 0 : i32
        %dma_start3A_127 = tpu.memref_slice %arg6[%add3A_119, %dma_start3A_126] : memref<20480x128xf32, #tpu.memory_space<hbm>> -> memref<40x128xf32, #tpu.memory_space<hbm>>
        %dma_start3A_128 = arith.constant 0 : i32
        %dma_start3A_129 = tpu.memref_slice %arg6[%add3A_119, %dma_start3A_128] : memref<20480x128xf32, #tpu.memory_space<hbm>> -> memref<40x128xf32, #tpu.memory_space<hbm>>
        %dma_start3A_130 = arith.constant 0 : i32
        %dma_start3A_131 = arith.constant 0 : i32
        %dma_start3A_132 = tpu.memref_slice %arg10[%run_scoped3A_120, %dma_start3A_130, %dma_start3A_131] : memref<2x40x128xf32, #tpu.memory_space<vmem>> -> memref<1x40x128xf32, #tpu.memory_space<vmem>>
        %dma_start3A_133 = tpu.memref_squeeze %dma_start3A_132 : memref<1x40x128xf32, #tpu.memory_space<vmem>> -> memref<40x128xf32, #tpu.memory_space<vmem>>
        tpu.enqueue_dma source(%dma_start3A_133 : memref<40x128xf32, #tpu.memory_space<vmem>>) target(%dma_start3A_129 : memref<40x128xf32, #tpu.memory_space<hbm>>) target_semaphore(%run_scoped3A_121 : memref<!tpu.dma_semaphore, #tpu.memory_space<semaphore_mem>>)
        %dma_wait3A_134 = arith.constant 0 : i32
        %dma_wait3A_135 = arith.constant 0 : i32
        %dma_wait3A_136 = tpu.memref_slice %arg10[%run_scoped3A_120, %dma_wait3A_134, %dma_wait3A_135] : memref<2x40x128xf32, #tpu.memory_space<vmem>> -> memref<1x40x128xf32, #tpu.memory_space<vmem>>
        %dma_wait3A_137 = tpu.memref_squeeze %dma_wait3A_136 : memref<1x40x128xf32, #tpu.memory_space<vmem>> -> memref<40x128xf32, #tpu.memory_space<vmem>>
        %dma_wait3A_138 = arith.constant 0 : i32
        %dma_wait3A_139 = tpu.memref_slice %arg6[%add3A_119, %dma_wait3A_138] : memref<20480x128xf32, #tpu.memory_space<hbm>> -> memref<40x128xf32, #tpu.memory_space<hbm>>
        %dma_wait3A_140 = arith.constant 0 : i32
        %dma_wait3A_141 = tpu.memref_slice %arg6[%add3A_119, %dma_wait3A_140] : memref<20480x128xf32, #tpu.memory_space<hbm>> -> memref<40x128xf32, #tpu.memory_space<hbm>>
        %dma_wait3A_142 = arith.constant 0 : i32
        %dma_wait3A_143 = arith.constant 0 : i32
        %dma_wait3A_144 = tpu.memref_slice %arg10[%run_scoped3A_120, %dma_wait3A_142, %dma_wait3A_143] : memref<2x40x128xf32, #tpu.memory_space<vmem>> -> memref<1x40x128xf32, #tpu.memory_space<vmem>>
        %dma_wait3A_145 = tpu.memref_squeeze %dma_wait3A_144 : memref<1x40x128xf32, #tpu.memory_space<vmem>> -> memref<40x128xf32, #tpu.memory_space<vmem>>
        tpu.wait_dma2 semaphore(%run_scoped3A_121 : memref<!tpu.dma_semaphore, #tpu.memory_space<semaphore_mem>>) src(%dma_wait3A_145 : memref<40x128xf32, #tpu.memory_space<vmem>>) dst(%dma_wait3A_141 : memref<40x128xf32, #tpu.memory_space<hbm>>)
        tpu.yield
      }) : () -> ()
    }
    %scan3A_104 = arith.constant 16 : i32
    %mul3A_105 = arith.constant 640 : i32
    %mul3A_106 = arith.muli %arg1, %mul3A_105 : i32
    "tpu.region"() ({
      %run_scoped3A = tpu.sem_alloc : memref<!tpu.dma_semaphore, #tpu.memory_space<semaphore_mem>>
      %dma_start3A_107 = tpu.memref_slice %arg15[%mul3A_106] : memref<10240xf32, #tpu.memory_space<vmem_shared>> -> memref<640xf32, #tpu.memory_space<vmem_shared>>
      %dma_start3A_108 = tpu.memref_slice %arg15[%mul3A_106] : memref<10240xf32, #tpu.memory_space<vmem_shared>> -> memref<640xf32, #tpu.memory_space<vmem_shared>>
      tpu.enqueue_dma source(%dma_start3A_108 : memref<640xf32, #tpu.memory_space<vmem_shared>>) target(%arg13 : memref<640xf32, #tpu.memory_space<vmem>>) target_semaphore(%run_scoped3A : memref<!tpu.dma_semaphore, #tpu.memory_space<semaphore_mem>>)
      %dma_wait3A_109 = tpu.memref_slice %arg15[%mul3A_106] : memref<10240xf32, #tpu.memory_space<vmem_shared>> -> memref<640xf32, #tpu.memory_space<vmem_shared>>
      %dma_wait3A_110 = tpu.memref_slice %arg15[%mul3A_106] : memref<10240xf32, #tpu.memory_space<vmem_shared>> -> memref<640xf32, #tpu.memory_space<vmem_shared>>
      tpu.wait_dma2 semaphore(%run_scoped3A : memref<!tpu.dma_semaphore, #tpu.memory_space<semaphore_mem>>) src(%dma_wait3A_110 : memref<640xf32, #tpu.memory_space<vmem_shared>>) dst(%arg13 : memref<640xf32, #tpu.memory_space<vmem>>)
      tpu.yield
    }) : () -> ()
    "tpu.region"() ({
      %run_scoped3A = tpu.sem_alloc : memref<!tpu.dma_semaphore, #tpu.memory_space<semaphore_mem>>
      %dma_start3A_107 = tpu.memref_slice %arg7[%add3A_99] : memref<20480xf32, #tpu.memory_space<hbm>> -> memref<640xf32, #tpu.memory_space<hbm>>
      %dma_start3A_108 = tpu.memref_slice %arg7[%add3A_99] : memref<20480xf32, #tpu.memory_space<hbm>> -> memref<640xf32, #tpu.memory_space<hbm>>
      tpu.enqueue_dma source(%arg13 : memref<640xf32, #tpu.memory_space<vmem>>) target(%dma_start3A_108 : memref<640xf32, #tpu.memory_space<hbm>>) target_semaphore(%run_scoped3A : memref<!tpu.dma_semaphore, #tpu.memory_space<semaphore_mem>>)
      %dma_wait3A_109 = tpu.memref_slice %arg7[%add3A_99] : memref<20480xf32, #tpu.memory_space<hbm>> -> memref<640xf32, #tpu.memory_space<hbm>>
      %dma_wait3A_110 = tpu.memref_slice %arg7[%add3A_99] : memref<20480xf32, #tpu.memory_space<hbm>> -> memref<640xf32, #tpu.memory_space<hbm>>
      tpu.wait_dma2 semaphore(%run_scoped3A : memref<!tpu.dma_semaphore, #tpu.memory_space<semaphore_mem>>) src(%arg13 : memref<640xf32, #tpu.memory_space<vmem>>) dst(%dma_wait3A_110 : memref<640xf32, #tpu.memory_space<hbm>>)
      tpu.yield
    }) : () -> ()
    return
  }
}

module attributes {stable_mosaic.version = 14 : i64} {
  func.func @_ew_body(%arg0: i32, %arg1: memref<8000x16xf32, #tpu.memory_space<vmem>>, %arg2: memref<16x128xf32, #tpu.memory_space<vmem>>, %arg3: memref<8000x128xf32, #tpu.memory_space<vmem>>) attributes {dimension_semantics = [#tpu.dimension_semantics<arbitrary>], iteration_bounds = array<i64: 40>, scalar_prefetch = 0 : i64, scratch_operands = 0 : i64, tpu.core_type = #tpu.core_type<tc>, window_params = [{transform_indices = @transform_0, window_bounds = array<i64: 8000, 16>}, {pipeline_mode = #tpu.pipeline_mode<synchronous>, transform_indices = @transform_1, window_bounds = array<i64: 16, 128>}, {transform_indices = @transform_2, window_bounds = array<i64: 8000, 128>}]} {
    %get3A = arith.constant 0 : index
    %get3A_0 = arith.constant 0 : index
    %get3A_1 = vector.load %arg1[%get3A, %get3A_0] : memref<8000x16xf32, #tpu.memory_space<vmem>>, vector<8000x16xf32>
    %get3A_2 = arith.constant 0 : index
    %get3A_3 = arith.constant 0 : index
    %get3A_4 = vector.load %arg2[%get3A_2, %get3A_3] : memref<16x128xf32, #tpu.memory_space<vmem>>, vector<16x128xf32>
    %dot_general3A = arith.constant dense<0.000000e+00> : vector<8000x128xf32>
    %dot_general3A_5 = tpu.matmul %get3A_1, %get3A_4, %dot_general3A {dimension_numbers = #tpu.dot_dimension_numbers<[1], [0], [0], [1], [0, 0, 1, 1], [], []>, transpose_lhs_hint = false} : vector<8000x16xf32>, vector<16x128xf32>, vector<8000x128xf32> -> vector<8000x128xf32>
    %swap3A = arith.constant 0 : index
    %swap3A_6 = arith.constant 0 : index
    %swap3A_7 = vector.load %arg3[%swap3A, %swap3A_6] : memref<8000x128xf32, #tpu.memory_space<vmem>>, vector<8000x128xf32>
    tpu.vector_store %arg3[%swap3A, %swap3A_6], %dot_general3A_5 {strides = array<i32>} : memref<8000x128xf32, #tpu.memory_space<vmem>>, vector<8000x128xf32>,
    return
  }
  func.func @transform_0(%arg0: i32) -> (i32, i32) {
    %c0_i32 = arith.constant 0 : i32
    %c0_i32_0 = arith.constant 0 : i32
    return %arg0, %c0_i32 : i32, i32
  }
  func.func @transform_1(%arg0: i32) -> (i32, i32) {
    %c0_i32 = arith.constant 0 : i32
    %c0_i32_0 = arith.constant 0 : i32
    %c0_i32_1 = arith.constant 0 : i32
    return %c0_i32, %c0_i32_0 : i32, i32
  }
  func.func @transform_2(%arg0: i32) -> (i32, i32) {
    %c0_i32 = arith.constant 0 : i32
    %c0_i32_0 = arith.constant 0 : i32
    return %arg0, %c0_i32 : i32, i32
  }
}

module attributes {stable_mosaic.version = 14 : i64} {
  func.func @_xw_body(%arg0: i32, %arg1: memref<1000x128xf32, #tpu.memory_space<vmem>>, %arg2: memref<128x128xf32, #tpu.memory_space<vmem>>, %arg3: memref<1x128xf32, #tpu.memory_space<vmem>>, %arg4: memref<1000x128xf32, #tpu.memory_space<vmem>>) attributes {dimension_semantics = [#tpu.dimension_semantics<arbitrary>], iteration_bounds = array<i64: 10>, scalar_prefetch = 0 : i64, scratch_operands = 0 : i64, tpu.core_type = #tpu.core_type<tc>, window_params = [{transform_indices = @transform_0, window_bounds = array<i64: 1000, 128>}, {pipeline_mode = #tpu.pipeline_mode<synchronous>, transform_indices = @transform_1, window_bounds = array<i64: 128, 128>}, {pipeline_mode = #tpu.pipeline_mode<synchronous>, transform_indices = @transform_2, window_bounds = array<i64: 1, 128>}, {transform_indices = @transform_3, window_bounds = array<i64: 1000, 128>}]} {
    %get3A = arith.constant 0 : index
    %get3A_0 = arith.constant 0 : index
    %get3A_1 = vector.load %arg1[%get3A, %get3A_0] : memref<1000x128xf32, #tpu.memory_space<vmem>>, vector<1000x128xf32>
    %get3A_2 = arith.constant 0 : index
    %get3A_3 = arith.constant 0 : index
    %get3A_4 = vector.load %arg2[%get3A_2, %get3A_3] : memref<128x128xf32, #tpu.memory_space<vmem>>, vector<128x128xf32>
    %dot_general3A = arith.constant dense<0.000000e+00> : vector<1000x128xf32>
    %dot_general3A_5 = tpu.matmul %get3A_1, %get3A_4, %dot_general3A {dimension_numbers = #tpu.dot_dimension_numbers<[1], [0], [0], [1], [0, 0, 1, 1], [], []>, transpose_lhs_hint = false} : vector<1000x128xf32>, vector<128x128xf32>, vector<1000x128xf32> -> vector<1000x128xf32>
    %get3A_6 = arith.constant 0 : index
    %get3A_7 = arith.constant 0 : index
    %get3A_8 = vector.load %arg3[%get3A_6, %get3A_7] : memref<1x128xf32, #tpu.memory_space<vmem>>, vector<1x128xf32>
    %add3A = vector.broadcast %get3A_8 : vector<1x128xf32> to vector<1000x128xf32>
    %add3A_9 = arith.addf %dot_general3A_5, %add3A : vector<1000x128xf32>
    %swap3A = arith.constant 0 : index
    %swap3A_10 = arith.constant 0 : index
    %swap3A_11 = vector.load %arg4[%swap3A, %swap3A_10] : memref<1000x128xf32, #tpu.memory_space<vmem>>, vector<1000x128xf32>
    tpu.vector_store %arg4[%swap3A, %swap3A_10], %add3A_9 {strides = array<i32>} : memref<1000x128xf32, #tpu.memory_space<vmem>>, vector<1000x128xf32>,
    return
  }
  func.func @transform_0(%arg0: i32) -> (i32, i32) {
    %c0_i32 = arith.constant 0 : i32
    %c0_i32_0 = arith.constant 0 : i32
    return %arg0, %c0_i32 : i32, i32
  }
  func.func @transform_1(%arg0: i32) -> (i32, i32) {
    %c0_i32 = arith.constant 0 : i32
    %c0_i32_0 = arith.constant 0 : i32
    %c0_i32_1 = arith.constant 0 : i32
    return %c0_i32, %c0_i32_0 : i32, i32
  }
  func.func @transform_2(%arg0: i32) -> (i32, i32) {
    %c0_i32 = arith.constant 0 : i32
    %c0_i32_0 = arith.constant 0 : i32
    %c0_i32_1 = arith.constant 0 : i32
    return %c0_i32, %c0_i32_0 : i32, i32
  }
  func.func @transform_3(%arg0: i32) -> (i32, i32) {
    %c0_i32 = arith.constant 0 : i32
    %c0_i32_0 = arith.constant 0 : i32
    return %arg0, %c0_i32 : i32, i32
  }
}

module attributes {stable_mosaic.version = 14 : i64} {
  func.func @_out_body(%arg0: i32, %arg1: memref<2x1024x128xf32, #tpu.memory_space<vmem>>, %arg2: memref<2x1024xf32, #tpu.memory_space<vmem>>, %arg3: memref<128x128xf32, #tpu.memory_space<vmem>>, %arg4: memref<1x128xf32, #tpu.memory_space<vmem>>, %arg5: memref<1024x128xf32, #tpu.memory_space<vmem>>) attributes {dimension_semantics = [#tpu.dimension_semantics<arbitrary>], iteration_bounds = array<i64: 10>, scalar_prefetch = 0 : i64, scratch_operands = 0 : i64, tpu.core_type = #tpu.core_type<tc>, window_params = [{transform_indices = @transform_0, window_bounds = array<i64: 2, 1024, 128>}, {transform_indices = @transform_1, window_bounds = array<i64: 2, 1024>}, {pipeline_mode = #tpu.pipeline_mode<synchronous>, transform_indices = @transform_2, window_bounds = array<i64: 128, 128>}, {pipeline_mode = #tpu.pipeline_mode<synchronous>, transform_indices = @transform_3, window_bounds = array<i64: 1, 128>}, {transform_indices = @transform_4, window_bounds = array<i64: 1024, 128>}]} {
    %get3A = arith.constant 0 : index
    %get3A_0 = arith.constant 0 : index
    %get3A_1 = arith.constant 0 : index
    %get3A_2 = vector.load %arg1[%get3A, %get3A_0, %get3A_1] : memref<2x1024x128xf32, #tpu.memory_space<vmem>>, vector<1x1024x128xf32>
    %get3A_3 = vector.shape_cast %get3A_2 : vector<1x1024x128xf32> to vector<1024x128xf32>
    %get3A_4 = arith.constant 1 : index
    %get3A_5 = arith.constant 0 : index
    %get3A_6 = arith.constant 0 : index
    %get3A_7 = vector.load %arg1[%get3A_4, %get3A_5, %get3A_6] : memref<2x1024x128xf32, #tpu.memory_space<vmem>>, vector<1x1024x128xf32>
    %get3A_8 = vector.shape_cast %get3A_7 : vector<1x1024x128xf32> to vector<1024x128xf32>
    %add3A = arith.addf %get3A_3, %get3A_8 : vector<1024x128xf32>
    %get3A_9 = arith.constant 0 : index
    %get3A_10 = arith.constant 0 : index
    %get3A_11 = vector.load %arg2[%get3A_9, %get3A_10] : memref<2x1024xf32, #tpu.memory_space<vmem>>, vector<1x1024xf32>
    %get3A_12 = vector.shape_cast %get3A_11 : vector<1x1024xf32> to vector<1024xf32>
    %get3A_13 = arith.constant 1 : index
    %get3A_14 = arith.constant 0 : index
    %get3A_15 = vector.load %arg2[%get3A_13, %get3A_14] : memref<2x1024xf32, #tpu.memory_space<vmem>>, vector<1x1024xf32>
    %get3A_16 = vector.shape_cast %get3A_15 : vector<1x1024xf32> to vector<1024xf32>
    %add3A_17 = arith.addf %get3A_12, %get3A_16 : vector<1024xf32>
    %broadcast_in_dim3A = vector.shape_cast %add3A_17 : vector<1024xf32> to vector<1024x1xf32>
    %get3A_18 = arith.constant 0 : index
    %get3A_19 = arith.constant 0 : index
    %get3A_20 = vector.load %arg3[%get3A_18, %get3A_19] : memref<128x128xf32, #tpu.memory_space<vmem>>, vector<128x128xf32>
    %dot_general3A = arith.constant dense<0.000000e+00> : vector<1024x128xf32>
    %dot_general3A_21 = tpu.matmul %add3A, %get3A_20, %dot_general3A {dimension_numbers = #tpu.dot_dimension_numbers<[1], [0], [0], [1], [0, 0, 1, 1], [], []>, transpose_lhs_hint = false} : vector<1024x128xf32>, vector<128x128xf32>, vector<1024x128xf32> -> vector<1024x128xf32>
    %max3A = arith.constant 1.000000e+00 : f32
    %max3A_22 = vector.broadcast %max3A : f32 to vector<1024x1xf32>
    %max3A_23 = arith.maximumf %broadcast_in_dim3A, %max3A_22 : vector<1024x1xf32>
    %div3A = vector.broadcast %max3A_23 : vector<1024x1xf32> to vector<1024x128xf32>
    %div3A_24 = arith.divf %dot_general3A_21, %div3A : vector<1024x128xf32>
    %get3A_25 = arith.constant 0 : index
    %get3A_26 = arith.constant 0 : index
    %get3A_27 = vector.load %arg4[%get3A_25, %get3A_26] : memref<1x128xf32, #tpu.memory_space<vmem>>, vector<1x128xf32>
    %gt3A = arith.constant 0.000000e+00 : f32
    %gt3A_28 = vector.broadcast %gt3A : f32 to vector<1024x1xf32>
    %gt3A_29 = arith.cmpf ogt, %broadcast_in_dim3A, %gt3A_28 : vector<1024x1xf32>
    %convert_element_type3A = arith.extui %gt3A_29 : vector<1024x1xi1> to vector<1024x1xi32>
    %convert_element_type3A_30 = arith.sitofp %convert_element_type3A : vector<1024x1xi32> to vector<1024x1xf32>
    %mul3A = vector.broadcast %get3A_27 : vector<1x128xf32> to vector<1024x128xf32>
    %mul3A_31 = vector.broadcast %convert_element_type3A_30 : vector<1024x1xf32> to vector<1024x128xf32>
    %mul3A_32 = arith.mulf %mul3A, %mul3A_31 : vector<1024x128xf32>
    %add3A_33 = arith.addf %div3A_24, %mul3A_32 : vector<1024x128xf32>
    %swap3A = arith.constant 0 : index
    %swap3A_34 = arith.constant 0 : index
    %swap3A_35 = vector.load %arg5[%swap3A, %swap3A_34] : memref<1024x128xf32, #tpu.memory_space<vmem>>, vector<1024x128xf32>
    tpu.vector_store %arg5[%swap3A, %swap3A_34], %add3A_33 {strides = array<i32>} : memref<1024x128xf32, #tpu.memory_space<vmem>>, vector<1024x128xf32>,
    return
  }
  func.func @transform_0(%arg0: i32) -> (i32, i32, i32) {
    %c0_i32 = arith.constant 0 : i32
    %c0_i32_0 = arith.constant 0 : i32
    %c0_i32_1 = arith.constant 0 : i32
    return %c0_i32, %arg0, %c0_i32_0 : i32, i32, i32
  }
  func.func @transform_1(%arg0: i32) -> (i32, i32) {
    %c0_i32 = arith.constant 0 : i32
    %c0_i32_0 = arith.constant 0 : i32
    return %c0_i32, %arg0 : i32, i32
  }
  func.func @transform_2(%arg0: i32) -> (i32, i32) {
    %c0_i32 = arith.constant 0 : i32
    %c0_i32_0 = arith.constant 0 : i32
    %c0_i32_1 = arith.constant 0 : i32
    return %c0_i32, %c0_i32_0 : i32, i32
  }
  func.func @transform_3(%arg0: i32) -> (i32, i32) {
    %c0_i32 = arith.constant 0 : i32
    %c0_i32_0 = arith.constant 0 : i32
    %c0_i32_1 = arith.constant 0 : i32
    return %c0_i32, %c0_i32_0 : i32, i32
  }
  func.func @transform_4(%arg0: i32) -> (i32, i32) {
    %c0_i32 = arith.constant 0 : i32
    %c0_i32_0 = arith.constant 0 : i32
    return %arg0, %c0_i32 : i32, i32
  }
}

</mosaic_0001>

<sc_bundles>
// kernel: kernel.6.cloned.1.call-start
scs
__scs_entry_jumppad:
0x0: {  	(pc) =	sbr.rel $0x88, $3  }
0x1: {  	(tag) =	ssettag $0x0;
	lr =	simm.s32 $0x1  }
0x2: {  	[smem:$0x3F9A] =	sst lr;
	_ =	strace $0xD0000000  }
0x3: {  	_ = 	snop  }
0x4: {  	_ = 	snop  }
0x5: {  	_ = 	snop  }
0x6: {  	_ = 	snop  }
0x7: {  	_ = 	snop  }
__scs_overlays_trampoline_lowered:
0x8: {  	[smem:$0x3FA9] =	sst s0  }
0x9: {  	[smem:$0x3FAA] =	sst s1  }
0xa: {  	[smem:$0x3FAB] =	sst s2  }
0xb: {  	[smem:$0x3FAC] =	sst s3  }
0xc: {  	[smem:$0x3FAD] =	sst s4  }
0xd: {  	[smem:$0x3FAE] =	sst s5  }
0xe: {  	[smem:$0x3FAF] =	sst s6  }
0xf: {  	[smem:$0x3FB0] =	sst s7  }
0x10: {  	[smem:$0x3FB1] =	sst s8  }
0x11: {  	[smem:$0x3FB2] =	sst s9;
	s0 =	simm.s32 @!p0 $0x0  }
0x12: {  	s1 =	sld [smem:$0x3F98];
	s0 =	simm.s32 @p0 $0x1  }
0x13: {  	[smem:$0x3FB3] =	sst s0;
	s0 =	simm.s32 @!p1 $0x0  }
0x14: {  	s2 =	sld [smem:$0x3F97];
	s0 =	simm.s32 @p1 $0x1  }
0x15: {  	[smem:$0x3FB4] =	sst s0;
	s0 =	simm.s32 @!p2 $0x0  }
0x16: {  	s3 =	sld [smem:$0x3FDB];
	s0 =	simm.s32 @p2 $0x1  }
0x17: {  	s4 =	simm.s32 $0x1BF5;
	[smem:$0x3FB6] =	sst s0  }
0x18: {  	s0 =	sld [smem:$0x3F99];
	_ =	swait.ge [sflag:s4], $0x0  }
0x19: {  	s7 =	sld [smem:$0x3F9A]  }
0x1a: {  	s8 =	sadd.s32 $0xFFFFE003, lr  }
0x1b: {  	s9 =	sadd.s32 $0xFFFFFEF7, lr;
	s5 =	simm.s32 $0xFFFFFFFF;
	p2 =	slt.u32 s8, $0xFFFFF086  }
0x1c: {  	p1 =	slt.u32 s9, $0xF7A;
	s5 =	simm.s32 @!p2 $0x0  }
0x1d: {  	s5 =	simm.s32 @p1 $0x1;
	p0 =	seq.s32 s7, s2  }
0x1e: {  	s7 =	smul.u32 @!p0 $0xF7A, s2;
	p2 =	seq.s32 @!p0 s5, $0x0  }
0x1f: {  	s9 =	smul.u32 $0xF7A, s1;
	s8 =	simm.s32 @!p0 $0x1BF5;
	p2 =	por !p2, p0  }
0x20: {  	[sflag:s8] =	ssyncset.s32 @!p0 $0xFFFFF086;
	s6 =	sadd.s32 @!p0 s3, s7;
	s7 =	simm.s32 @!p0 $0x108  }
0x21: {  	s3 =	sadd.s32 s3, s9;
	s6 =	sadd.s32 @!p0 $0x88, s6;
	s7 =	simm.s32 @p2 $0x1082  }
0x22: {  	[simem:s7], [sflag:s8] =	dma.local @!p0 [hbm:s6], $0xF7A  }
0x23: {  	s9 =	sor.u32 $0xD0000000, s2;
	s6 =	simm.s32 $0x108;
	_ =	swait.ge @!p0 [sflag:s8], $0x0  }
0x24: {  	s3 =	sadd.s32 $0x88, s3;
	s6 =	simm.s32 @!p1 $0x1082;
	[sflag:s4] =	ssyncset.s32 $0xFFFFF086  }
0x25: {  	[simem:s6], [sflag:s4] =	dma.local [hbm:s3], $0xF7A  }
0x26: {  	[smem:$0x3F9A] =	sst s1;
	(tag) =	ssettag s2;
	_ =	strace s9  }
0x27: {  	s1 =	sld [smem:$0x3FAA]  }
0x28: {  	s2 =	sld [smem:$0x3FAB]  }
0x29: {  	s4 =	sld [smem:$0x3FAD]  }
0x2a: {  	p0 =	seq.s32 s5, $0x0;
	s5 =	sld [smem:$0x3FAE]  }
0x2b: {  	s6 =	sld [smem:$0x3FAF]  }
0x2c: {  	s7 =	sld [smem:$0x3FB0]  }
0x2d: {  	s3 =	simm.s32 $0x108;
	s8 =	sld [smem:$0x3FB1]  }
0x2e: {  	s3 =	simm.s32 @!p0 $0x1082;
	s9 =	sld [smem:$0x3FB2]  }
0x2f: {  	lr =	sadd.s32 s0, s3;
	s0 =	sld [smem:$0x3FA9]  }
0x30: {  	s3 =	sld [smem:$0x3FAC]  }
0x31: {  	[smem:$0x3FB5] =	sst s10  }
0x32: {  	s10 =	sld [smem:$0x3FB3];
	_ =	sdelay $0x3  }
0x33: {  	p0 =	seq.s32 s10, $0x1;
	s10 =	sld [smem:$0x3FB5];
	_ =	sdelay $0x3  }
0x34: {  	[smem:$0x3FB5] =	sst s10  }
0x35: {  	s10 =	sld [smem:$0x3FB4];
	_ =	sdelay $0x3  }
0x36: {  	p1 =	seq.s32 s10, $0x1;
	s10 =	sld [smem:$0x3FB5];
	_ =	sdelay $0x3  }
0x37: {  	[smem:$0x3FB5] =	sst s10  }
0x38: {  	s10 =	sld [smem:$0x3FB6]  }
0x39: {  	_ = 	snop;
	(pc) =	sbr.ind lr, $3  }
0x3a: {  	_ = 	snop  }
0x3b: {  	_ = 	snop  }
0x3c: {  	p2 =	seq.s32 s10, $0x1;
	s10 =	sld [smem:$0x3FB5]  }
0x3d: {  	_ =	shalt  }
0x3e: {  	_ =	shalt  }
0x3f: {  	_ =	shalt  }
0x40: {  	_ =	shalt  }
0x41: {  	_ =	shalt  }
0x42: {  	_ =	shalt  }
0x43: {  	_ =	shalt  }
0x44: {  	_ =	shalt  }
0x45: {  	_ =	shalt  }
0x46: {  	_ =	shalt  }
0x47: {  	_ =	shalt  }
0x48: {  	_ =	shalt  }
0x49: {  	_ =	shalt  }
0x4a: {  	_ =	shalt  }
0x4b: {  	_ =	shalt  }
0x4c: {  	_ =	shalt  }
0x4d: {  	_ =	shalt  }
0x4e: {  	_ =	shalt  }
0x4f: {  	_ =	shalt  }
0x50: {  	_ =	shalt  }
0x51: {  	_ =	shalt  }
0x52: {  	_ =	shalt  }
0x53: {  	_ =	shalt  }
0x54: {  	_ =	shalt  }
0x55: {  	_ =	shalt  }
0x56: {  	_ =	shalt  }
0x57: {  	_ =	shalt  }
0x58: {  	_ =	shalt  }
0x59: {  	_ =	shalt  }
0x5a: {  	_ =	shalt  }
0x5b: {  	_ =	shalt  }
0x5c: {  	_ =	shalt  }
0x5d: {  	_ =	shalt  }
0x5e: {  	_ =	shalt  }
0x5f: {  	_ =	shalt  }
0x60: {  	_ =	shalt  }
0x61: {  	_ =	shalt  }
0x62: {  	_ =	shalt  }
0x63: {  	_ =	shalt  }
0x64: {  	_ =	shalt  }
0x65: {  	_ =	shalt  }
0x66: {  	_ =	shalt  }
0x67: {  	_ =	shalt  }
0x68: {  	_ =	shalt  }
0x69: {  	_ =	shalt  }
0x6a: {  	_ =	shalt  }
0x6b: {  	_ =	shalt  }
0x6c: {  	_ =	shalt  }
0x6d: {  	_ =	shalt  }
0x6e: {  	_ =	shalt  }
0x6f: {  	_ =	shalt  }
0x70: {  	_ =	shalt  }
0x71: {  	_ =	shalt  }
0x72: {  	_ =	shalt  }
0x73: {  	_ =	shalt  }
0x74: {  	_ =	shalt  }
0x75: {  	_ =	shalt  }
0x76: {  	_ =	shalt  }
0x77: {  	_ =	shalt  }
0x78: {  	_ =	shalt  }
0x79: {  	_ =	shalt  }
0x7a: {  	_ =	shalt  }
0x7b: {  	_ =	shalt  }
0x7c: {  	_ =	shalt  }
0x7d: {  	_ =	shalt  }
0x7e: {  	_ =	shalt  }
0x7f: {  	_ =	shalt  }
0x80: {  	_ =	shalt  }
0x81: {  	_ =	shalt  }
0x82: {  	_ =	shalt  }
0x83: {  	_ =	shalt  }
0x84: {  	_ =	shalt  }
0x85: {  	_ =	shalt  }
0x86: {  	_ =	shalt  }
0x87: {  	_ =	shalt  }
.Lfunc_end0:
.L_simem_size_0:
called_computation_lowered:
.L_overlay_start_0:
0x88: {  	s2 =	sld [smem:$0x3FD9]  }
0x89: {  	s3 =	sld [smem:$0x3FFE];
	_ =	sdelay $0x1  }
0x8a: {  	s1 =	srdreg.scid  }
0x8b: {  	s0 =	sand.u32 $0x1, s1  }
0x8c: {  	s17 =	sshll.u32 s0, $0xA;
	s2 =	sadd.s32 s3, s2  }
0x8d: {  	s2 =	sadd.s32 s2, s17  }
0x8e: {  	[smem:$0x3FC1] =	sst s2  }
0x8f: {  	_ = 	snop  }
0x90: {  	s2 =	sld [smem:$0x3FD0];
	(tm) =	ssettm $0x1  }
0x91: {  	s18 =	sld [smem:$0x3FFB];
	_ =	sdelay $0x3  }
0x92: {  	_ =	strace s18  }
0x93: {  	s3 =	sld [smem:$0x3FFC];
	_ =	sdelay $0x3  }
0x94: {  	_ =	strace s3  }
0x95: {  	s3 =	sld [smem:$0x3FFD];
	_ =	sdelay $0x3  }
0x96: {  	_ =	strace s3  }
0x97: {  	_ =	strace $0x8FFFFFFF  }
0x98: {  	s19 =	sld [smem:$0x3FDB];
	_ =	sdelay $0x1  }
0x99: {  	s4 =	simm.s32 $_scs_section_size  }
0x9a: {  	s5 =	simm.s32 $_size__tile_overlayer_lowered;
	s6 =	simm.s32 $_tile_overlayer_lowered  }
0x9b: {  	s22 =	simm.s32 $0x1BFF;
	s21 =	sshll.u32 s6, $0x1;
	s3 =	sadd.s32 s4, s19  }
0x9c: {  	s7 =	simm.s32 $0x0;
	s20 =	sshll.u32 s5, $0x1;
	s5 =	sadd.s32 s21, s3  }
0x9d: {  	[timem:s7], [sflag:s22] =	dma.local [hbm:s5], s20  }
0x9e: {  	_ =	swait.ge [sflag:s22], s20  }
0x9f: {  	s4 =	ssub.s32 $0x0, s20;
	[sflag:s22] =	ssyncset.done $0x0  }
0xa0: {  	[sflag:s22] =	ssyncadd.s32 s4;
	_ =	sdelay $0x1  }
0xa1: {  	s23 =	simm.s32 $0x1B8B  }
0xa2: {  	_ =	swait.ge [sflag:s23], $0x1  }
0xa3: {  	[sflag:s23] =	ssyncset.done $0x0  }
0xa4: {  	s25 =	simm.s32 $0x1B8E;
	s24 =	sld [smem:$0x3FFE];
	[sflag:s23] =	ssyncadd.s32 $0xFFFFFFFF  }
0xa5: {  	s26 =	simm.s32 $execute0_lowered;
	[smem:$0x3FD2] =	sst s25  }
0xa6: {  	s5 =	sshll.u32 s26, $0x1;
	_ =	strace $0x80000046;
	[dreg:$0x1] =	wrdreg $0xFFFFFFFF  }
0xa7: {  	s28 =	simm.s32 $_size_execute0_lowered;
	s3 =	sadd.s32 s3, s5;
	[dreg:$0x0] =	wrdreg $0x0  }
0xa8: {  	s5 =	sshll.u32 s28, $0x1;
	[dreg:$0x2] =	wrdreg s3  }
0xa9: {  	[dreg:$0x3] =	wrdreg s5  }
0xaa: {  	[dreg:$0x4] =	wrdreg $0xC0  }
0xab: {  	_ =	task [dreg:s7], $0x5FFFF  }
0xac: {  	[dreg:$0x1] =	wrdreg $0xFFFFFFFF  }
0xad: {  	[dreg:$0x0] =	wrdreg $0x60  }
0xae: {  	[dreg:$0x2] =	wrdreg s2  }
0xaf: {  	[dreg:$0x3] =	wrdreg s24  }
0xb0: {  	[dreg:$0x4] =	wrdreg $0x55000  }
0xb1: {  	[dreg:$0x5] =	wrdreg $0x195000  }
0xb2: {  	[dreg:$0x6] =	wrdreg $0x9  }
0xb3: {  	_ =	task.clear_ibuf [dreg:s7], $0x7FFFF;
	_ =	strace $0x90000046  }
0xb4: {  	s29 =	simm.s32 $0x9;
	_ =	strace $0x80000048  }
0xb5: {  	_ =	swait.ge [sflag:s29], $0x1  }
0xb6: {  	[sflag:s29] =	ssyncadd.s32 $0xFFFFFFFF  }
0xb7: {  	_ =	strace $0x90000048  }
0xb8: {  	_ =	sfence  }
0xb9: {  	s30 =	sld [smem:$0x0];
	_ =	sdelay $0x2  }
0xba: {  	s31 =	sshll.u32 s1, $0xD;
	s1 =	sshrl.u32 s1, $0x2  }
0xbb: {  	s3 =	sand.u32 $0x4000, s31;
	s1 =	sadd.s32 s1, s30  }
0xbc: {  	s0 =	sor.u32 s3, s0;
	s1 =	sshll.u32 s1, $0x11  }
0xbd: {  	s0 =	sor.u32 s1, s0  }
0xbe: {  	s0 =	sadd.s32 $0x8F2B, s0  }
0xbf: {  	[sflag:s0] =	ssyncadd.remote.s32 $0x1  }
0xc0: {  	_ =	sfence.sel $0xFFFF  }
0xc1: {  	[dreg:$0x0] =	wrdreg $0xFFFFFFFF;
	(pc) =	sbr.abs _section_cstart, $3  }
0xc2: {  	[dreg:$0x1] =	wrdreg $0xFFFFFFFF  }
0xc3: {  	_ =	task.clear_ibuf [dreg:s7], $0x2FFFF;
	_ =	strace $0x9FFFFFFF  }
0xc4: {  	(tm) =	ssettm $0x7FFFFFFF  }
0xc5: {  	_ =	shalt  }
tec
execute0_lowered:
.L_overlay_start_1:
0x0: {  	(tag) =	ssettag $0x1  }
0x1: {  	s1 =	rddreg [dreg:$0x0]  }
0x2: {  	s0 =	rddreg [dreg:$0x1]  }
0x3: {  	s2 =	rddreg [dreg:$0x2]  }
0x4: {  	s3 =	rddreg [dreg:$0x3];
	s5 =	simm.s32 $0x0;
	s4 =	srdreg.scid  }
0x5: {  	s15 =	stileid.u32;
	s28 =	simm.s32 $0x2;
	s29 =	simm.s32 $0x1600  }
0x6: {  	s30 =	simm.s32 $0x5200;
	s31 =	simm.s32 $0x4;
	s9 =	smul.u32 $0x280, s15  }
0x7: {  	[smem:$0x7FF] =	sst s5;
	s4 =	sand.u32 $0x1, s4;
	s21 =	smul.u32 $0x50000, s15  }
0x8: {  	s6 =	sadd.s32 $0x4F6E00, s0;
	s11 =	sshll.u32 s15, $0x1;
	s10 =	smul.u32 $0x2800, s4  }
0x9: {  	s12 =	smul.u32 $0x28000, s4;
	s11 =	sor.u32 s4, s11;
	s4 =	ssub.s32 $0x2, s4  }
0xa: {  	_ =	strace $0x80000047;
	s14 =	smul.u32 $0x2710, s11;
	s18 =	sshrl.u32 s4, $0x1  }
0xb: {  	s11 =	smul.u32 $0x27100, s11;
	s17 =	sadd.s32 s9, s3;
	s23 =	sshrl.u32 s21, $0x2  }
0xc: {  	s4 =	ssub.s32 s4, s18;
	s18 =	sadd.s32 s23, s2;
	[dreg:$0x5] =	wrdreg s17  }
0xd: {  	s7 =	sadd.s32 $0xB000, s0;
	s22 =	sadd.s32 s6, s11;
	[dreg:$0xb] =	wrdreg s18  }
0xe: {  	s8 =	sadd.s32 $0x1200, s0;
	s4 =	smax.u32 s4, $0x1;
	[dreg:$0x8] =	wrdreg s22  }
0xf: {  	s24 =	smul.u32 $0x2800, s15;
	s25 =	sadd.s32 $0x1400, s18;
	[dreg:$0xa] =	wrdreg s4  }
0x10: {  	s10 =	sadd.s32 s9, s10;
	s26 =	sadd.s32 $0x2800, s18;
	[dreg:$0xc] =	wrdreg s25  }
0x11: {  	s12 =	sadd.s32 s12, s0;
	s9 =	sadd.s32 $0x3C00, s18;
	[dreg:$0xd] =	wrdreg s26  }
0x12: {  	s10 =	sshrl.u32 s10, $0x3;
	s11 =	sadd.s32 $0x6400, s18;
	[dreg:$0xe] =	wrdreg s9  }
0x13: {  	s19 =	sshrl.u32 s14, $0x3;
	s15 =	sadd.s32 $0x8C00, s18;
	[dreg:$0x10] =	wrdreg s11  }
0x14: {  	s13 =	sadd.s32 $0x28, s14;
	s16 =	sadd.s32 $0xA000, s18;
	[dreg:$0x12] =	wrdreg s15  }
0x15: {  	s14 =	sadd.s32 $0x50, s14;
	s21 =	sadd.s32 $0xDC00, s18;
	[dreg:$0x13] =	wrdreg s16  }
0x16: {  	s23 =	sadd.s32 $0x10400, s18;
	s0 =	sadd.s32 s10, s0;
	[dreg:$0x16] =	wrdreg s21  }
0x17: {  	s20 =	sadd.s32 s7, s19;
	s10 =	sadd.s32 s8, s19;
	[dreg:$0x18] =	wrdreg s23  }
0x18: {  	s19 =	sadd.s32 $0xB400, s18;
	s22 =	sadd.s32 $0xF000, s18;
	[dreg:$0x6] =	wrdreg s20  }
0x19: {  	s26 =	sadd.s32 $0x12C00, s18;
	s11 =	simm.s32 $0x200;
	[dreg:$0x7] =	wrdreg s10  }
0x1a: {  	s15 =	simm.s32 $0x5280;
	s16 =	simm.s32 $0x100;
	[dreg:$0x14] =	wrdreg s19  }
0x1b: {  	s21 =	simm.s32 $0x5;
	s23 =	simm.s32 $0x180;
	[dreg:$0x17] =	wrdreg s22  }
0x1c: {  	s9 =	simm.s32 $0x0;
	s0 =	sadd.s32 $0x14E00, s0;
	[dreg:$0x1a] =	wrdreg s26  }
0x1d: {  	s10 =	sadd.s32 $0x5000, s18;
	s20 =	sadd.s32 $0xC800, s18;
	[dreg:$0x9] =	wrdreg s0  }
0x1e: {  	s19 =	simm.s32 $0x28;
	s22 =	simm.s32 $0x80;
	[dreg:$0xf] =	wrdreg s10  }
0x1f: {  	s0 =	sadd.s32 s24, s12;
	s12 =	sadd.s32 $0x7800, s18;
	[dreg:$0x15] =	wrdreg s20  }
0x20: {  	s26 =	simm.s32 $0x7;
	s24 =	sadd.s32 $0x11800, s18;
	[dreg:$0x11] =	wrdreg s12  }
0x21: {  	s20 =	simm.s32 $0x3;
	s25 =	sadd.s32 $0x15800, s0;
	[dreg:$0x19] =	wrdreg s24  }
0x22: {  	v0 =	vimm.f32 $0.0e+00;
	v1 =	vimm.f32 $1.000000000e+00;
	s12 =	simm.s32 $0x9;
	s24 =	simm.s32 $0x3E00;
	s0 =	simm.s32 $0x6  }
.LBB2_1:
0x23: {  	[dreg:$0x1b] =	wrdreg s9;
	s9 =	simm.s32 $0x0;
	s10 =	simm.s32 $0x200  }
.LBB2_2:
0x24: {  	p0 =	sne.s32 s10, $0x4E00;
	[tilespmem:s9+$0x270] =	vst v0  }
0x25: {  	[tilespmem:s9+$0x200] =	vst v0  }
0x26: {  	[tilespmem:s9+$0x210] =	vst v0  }
.Ltmp0:
0x27: {  	[tilespmem:s9+$0x220] =	vst v0;
	(pc) =	sbr.rel @p0 .LBB2_2-.Ltmp0, $4  }
0x28: {  	[tilespmem:s9+$0x230] =	vst v0  }
0x29: {  	[tilespmem:s9+$0x240] =	vst v0  }
0x2a: {  	[tilespmem:s9+$0x250] =	vst v0  }
0x2b: {  	[tilespmem:s9+$0x260] =	vst v0;
	s9 =	sshra.s32 s10, $0x2;
	s10 =	sadd.s32 $0x200, s10  }
0x2c: {  	[tilespmem:s9+$0x270] =	vst v0  }
0x2d: {  	[tilespmem:s9+$0x200] =	vst v0  }
0x2e: {  	[tilespmem:s9+$0x210] =	vst v0  }
0x2f: {  	[tilespmem:s9+$0x220] =	vst v0  }
0x30: {  	[tilespmem:s9+$0x230] =	vst v0  }
0x31: {  	[tilespmem:s9+$0x240] =	vst v0  }
0x32: {  	[tilespmem:s9+$0x250] =	vst v0  }
0x33: {  	[tilespmem:s9+$0x260] =	vst v0  }
0x34: {  	[tilespmem:$0x5280] =	vst v0  }
0x35: {  	[tilespmem:$0x5290] =	vst v0  }
0x36: {  	[tilespmem:$0x52A0] =	vst v0  }
0x37: {  	[tilespmem:$0x52B0] =	vst v0  }
0x38: {  	[tilespmem:$0x52C0] =	vst v0  }
0x39: {  	[tilespmem:$0x52D0] =	vst v0  }
0x3a: {  	[tilespmem:$0x52E0] =	vst v0  }
0x3b: {  	[tilespmem:$0x52F0] =	vst v0  }
0x3c: {  	[tilespmem:$0x5300] =	vst v0  }
0x3d: {  	[tilespmem:$0x5310] =	vst v0  }
0x3e: {  	[tilespmem:$0x5320] =	vst v0  }
0x3f: {  	[tilespmem:$0x5330] =	vst v0  }
0x40: {  	[tilespmem:$0x5340] =	vst v0  }
0x41: {  	[tilespmem:$0x5350] =	vst v0  }
0x42: {  	[tilespmem:$0x5360] =	vst v0  }
0x43: {  	[tilespmem:$0x5370] =	vst v0  }
0x44: {  	[tilespmem:$0x5380] =	vst v0  }
0x45: {  	[tilespmem:$0x5390] =	vst v0  }
0x46: {  	[tilespmem:$0x53A0] =	vst v0  }
0x47: {  	[tilespmem:$0x53B0] =	vst v0  }
0x48: {  	[tilespmem:$0x53C0] =	vst v0  }
0x49: {  	[tilespmem:$0x53D0] =	vst v0  }
0x4a: {  	[tilespmem:$0x53E0] =	vst v0  }
0x4b: {  	[tilespmem:$0x53F0] =	vst v0  }
0x4c: {  	[tilespmem:$0x5400] =	vst v0  }
0x4d: {  	[tilespmem:$0x5410] =	vst v0  }
0x4e: {  	[tilespmem:$0x5420] =	vst v0  }
0x4f: {  	[tilespmem:$0x5430] =	vst v0  }
0x50: {  	[tilespmem:$0x5440] =	vst v0  }
0x51: {  	[tilespmem:$0x5450] =	vst v0  }
0x52: {  	[tilespmem:$0x5460] =	vst v0  }
0x53: {  	[tilespmem:$0x5470] =	vst v0  }
0x54: {  	[tilespmem:$0x5480] =	vst v0  }
0x55: {  	[tilespmem:$0x5490] =	vst v0  }
0x56: {  	[tilespmem:$0x54A0] =	vst v0  }
0x57: {  	[tilespmem:$0x54B0] =	vst v0  }
0x58: {  	[tilespmem:$0x54C0] =	vst v0  }
0x59: {  	[tilespmem:$0x54D0] =	vst v0  }
0x5a: {  	[tilespmem:$0x54E0] =	vst v0  }
0x5b: {  	[tilespmem:$0x54F0] =	vst v0  }
0x5c: {  	[tilespmem:$0x5200] =	vst v1  }
0x5d: {  	[tilespmem:$0x5210] =	vst v1  }
0x5e: {  	[tilespmem:$0x5218] =	vst v1  }
0x5f: {  	[spmem:s18] =	stream.linear.scatter [tilespmem:s11], [sflag:$0x9], $0x1400, $0x38;
	[tilespmem:$0x19780] =	vst v63  }
0x60: {  	_ =	swait.ge [sflag:s12], $0x1400  }
0x61: {  	[sflag:s12] =	ssyncset.done $0x0  }
0x62: {  	s4 =	rddreg [dreg:$0xc];
	[sflag:s12] =	ssyncadd.s32 $0xFFFFEC00  }
0x63: {  	[spmem:s4] =	stream.linear.scatter [tilespmem:s11], [sflag:$0x9], $0x1400, $0x38;
	[tilespmem:$0x19780] =	vst v63  }
0x64: {  	_ =	swait.ge [sflag:s12], $0x1400  }
0x65: {  	[sflag:s12] =	ssyncset.done $0x0  }
0x66: {  	s9 =	rddreg [dreg:$0xd];
	[sflag:s12] =	ssyncadd.s32 $0xFFFFEC00  }
0x67: {  	[spmem:s9] =	stream.linear.scatter [tilespmem:s11], [sflag:$0x9], $0x1400, $0x38;
	[tilespmem:$0x19780] =	vst v63  }
0x68: {  	_ =	swait.ge [sflag:s12], $0x1400  }
0x69: {  	[sflag:s12] =	ssyncset.done $0x0  }
0x6a: {  	s10 =	rddreg [dreg:$0xe];
	[sflag:s12] =	ssyncadd.s32 $0xFFFFEC00  }
0x6b: {  	[spmem:s10] =	stream.linear.scatter [tilespmem:s11], [sflag:$0x9], $0x1400, $0x38;
	[tilespmem:$0x19780] =	vst v63  }
0x6c: {  	_ =	swait.ge [sflag:s12], $0x1400  }
0x6d: {  	[sflag:s12] =	ssyncset.done $0x0  }
0x6e: {  	s18 =	rddreg [dreg:$0xf];
	[sflag:s12] =	ssyncadd.s32 $0xFFFFEC00  }
0x6f: {  	[spmem:s18] =	stream.linear.scatter [tilespmem:s11], [sflag:$0x9], $0x1400, $0x38;
	[tilespmem:$0x19780] =	vst v63  }
0x70: {  	_ =	swait.ge [sflag:s12], $0x1400  }
0x71: {  	[sflag:s12] =	ssyncset.done $0x0  }
0x72: {  	s9 =	rddreg [dreg:$0x10];
	[sflag:s12] =	ssyncadd.s32 $0xFFFFEC00  }
0x73: {  	[spmem:s9] =	stream.linear.scatter [tilespmem:s11], [sflag:$0x9], $0x1400, $0x38;
	[tilespmem:$0x19780] =	vst v63  }
0x74: {  	_ =	swait.ge [sflag:s12], $0x1400  }
0x75: {  	[sflag:s12] =	ssyncset.done $0x0  }
0x76: {  	s10 =	rddreg [dreg:$0x11];
	[sflag:s12] =	ssyncadd.s32 $0xFFFFEC00  }
0x77: {  	[spmem:s10] =	stream.linear.scatter [tilespmem:s11], [sflag:$0x9], $0x1400, $0x38;
	[tilespmem:$0x19780] =	vst v63  }
0x78: {  	_ =	swait.ge [sflag:s12], $0x1400  }
0x79: {  	[sflag:s12] =	ssyncset.done $0x0  }
0x7a: {  	s18 =	rddreg [dreg:$0x12];
	[sflag:s12] =	ssyncadd.s32 $0xFFFFEC00  }
0x7b: {  	[spmem:s18] =	stream.linear.scatter [tilespmem:s11], [sflag:$0x9], $0x1400, $0x38;
	[tilespmem:$0x19780] =	vst v63  }
0x7c: {  	_ =	swait.ge [sflag:s12], $0x1400  }
0x7d: {  	[sflag:s12] =	ssyncset.done $0x0  }
0x7e: {  	s9 =	rddreg [dreg:$0x13];
	[sflag:s12] =	ssyncadd.s32 $0xFFFFEC00  }
0x7f: {  	[spmem:s9] =	stream.linear.scatter [tilespmem:s11], [sflag:$0x9], $0x1400, $0x38;
	[tilespmem:$0x19780] =	vst v63  }
0x80: {  	_ =	swait.ge [sflag:s12], $0x1400  }
0x81: {  	[sflag:s12] =	ssyncset.done $0x0  }
0x82: {  	s10 =	rddreg [dreg:$0x14];
	[sflag:s12] =	ssyncadd.s32 $0xFFFFEC00  }
0x83: {  	[spmem:s10] =	stream.linear.scatter [tilespmem:s11], [sflag:$0x9], $0x1400, $0x38;
	[tilespmem:$0x19780] =	vst v63  }
0x84: {  	_ =	swait.ge [sflag:s12], $0x1400  }
0x85: {  	[sflag:s12] =	ssyncset.done $0x0  }
0x86: {  	s18 =	rddreg [dreg:$0x15];
	[sflag:s12] =	ssyncadd.s32 $0xFFFFEC00  }
0x87: {  	[spmem:s18] =	stream.linear.scatter [tilespmem:s11], [sflag:$0x9], $0x1400, $0x38;
	[tilespmem:$0x19780] =	vst v63  }
0x88: {  	_ =	swait.ge [sflag:s12], $0x1400  }
0x89: {  	[sflag:s12] =	ssyncset.done $0x0  }
0x8a: {  	s9 =	rddreg [dreg:$0x16];
	[sflag:s12] =	ssyncadd.s32 $0xFFFFEC00  }
0x8b: {  	[spmem:s9] =	stream.linear.scatter [tilespmem:s11], [sflag:$0x9], $0x1400, $0x38;
	[tilespmem:$0x19780] =	vst v63  }
0x8c: {  	_ =	swait.ge [sflag:s12], $0x1400  }
0x8d: {  	[sflag:s12] =	ssyncset.done $0x0  }
0x8e: {  	s10 =	rddreg [dreg:$0x17];
	[sflag:s12] =	ssyncadd.s32 $0xFFFFEC00  }
0x8f: {  	[spmem:s10] =	stream.linear.scatter [tilespmem:s11], [sflag:$0x9], $0x1400, $0x38;
	[tilespmem:$0x19780] =	vst v63  }
0x90: {  	_ =	swait.ge [sflag:s12], $0x1400  }
0x91: {  	[sflag:s12] =	ssyncset.done $0x0  }
0x92: {  	s18 =	rddreg [dreg:$0x18];
	[sflag:s12] =	ssyncadd.s32 $0xFFFFEC00  }
0x93: {  	[spmem:s18] =	stream.linear.scatter [tilespmem:s11], [sflag:$0x9], $0x1400, $0x38;
	[tilespmem:$0x19780] =	vst v63  }
0x94: {  	_ =	swait.ge [sflag:s12], $0x1400  }
0x95: {  	[sflag:s12] =	ssyncset.done $0x0  }
0x96: {  	s9 =	rddreg [dreg:$0x19];
	[sflag:s12] =	ssyncadd.s32 $0xFFFFEC00  }
0x97: {  	[spmem:s9] =	stream.linear.scatter [tilespmem:s11], [sflag:$0x9], $0x1400, $0x38;
	[tilespmem:$0x19780] =	vst v63  }
0x98: {  	_ =	swait.ge [sflag:s12], $0x1400  }
0x99: {  	[sflag:s12] =	ssyncset.done $0x0  }
0x9a: {  	s10 =	rddreg [dreg:$0x1a];
	[sflag:s12] =	ssyncadd.s32 $0xFFFFEC00  }
0x9b: {  	[spmem:s10] =	stream.linear.scatter [tilespmem:s11], [sflag:$0x9], $0x1400, $0x38;
	[tilespmem:$0x19780] =	vst v63  }
0x9c: {  	_ =	swait.ge [sflag:s12], $0x1400  }
0x9d: {  	[sflag:s12] =	ssyncset.done $0x0  }
0x9e: {  	[sflag:s12] =	ssyncadd.s32 $0xFFFFEC00  }
0x9f: {  	[spmem:s17] =	stream.linear.scatter [tilespmem:s15], [sflag:$0x9], $0x280, $0x38;
	[tilespmem:$0x19780] =	vst v63  }
0xa0: {  	_ =	swait.ge [sflag:s12], $0x280  }
0xa1: {  	[sflag:s12] =	ssyncset.done $0x0  }
0xa2: {  	[sflag:s12] =	ssyncadd.s32 $0xFFFFFD80  }
0xa3: {  	[bflag:$0x0] =	sbarrier.arrive $0xFFFF  }
0xa4: {  	s10 =	simm.s32 $0x0;
	s18 =	rddreg [dreg:$0x6]  }
0xa5: {  	[tilespmem:s10], [sflag:$0x1] =	stream.linear.gather [hbm4b:s18+s10], $0x28, $0x38;
	[tilespmem:$0x19780] =	vst v63  }
0xa6: {  	s9 =	rddreg [dreg:$0x7]  }
0xa7: {  	[tilespmem:s16], [sflag:$0x3] =	stream.linear.gather [hbm4b:s9+s10], $0x28, $0x38;
	[tilespmem:$0x19780] =	vst v63  }
0xa8: {  	s17 =	simm.s32 $0x2A00;
	s15 =	rddreg [dreg:$0x8];
	s18 =	simm.s32 $0x1  }
0xa9: {  	[tilespmem:s17], [sflag:$0x5] =	stream.linear.gather [hbm4b:s15+s10], $0x1400, $0x38;
	[tilespmem:$0x19780] =	vst v63  }
0xaa: {  	_ =	swait.ge [sflag:s18], $0x28  }
0xab: {  	[sflag:s18] =	ssyncset.done $0x0  }
0xac: {  	s15 =	simm.s32 $0x0;
	[sflag:s18] =	ssyncadd.s32 $0xFFFFFFD8  }
0xad: {  	[tilespmem:s11], [sflag:$0x7] =	stream.indirect.gather [hbm4b:s1+s19], $0x80, s10, s19, $0xb8;
	[tilespmem:$0x19780] =	vst v63  }
.LBB2_4:
0xae: {  	_ =	swait.ge [sflag:s20], $0x28  }
0xaf: {  	s18 =	smul.u32 $0x50, s15;
	[sflag:s20] =	ssyncset.done $0x0  }
0xb0: {  	[sflag:s20] =	ssyncadd.s32 $0xFFFFFFD8  }
0xb1: {  	s9 =	sadd.s32 s18, s13;
	_ =	swait.ge [sflag:s21], $0x1400  }
0xb2: {  	s17 =	sshrl.u32 s9, $0x3;
	[sflag:s21] =	ssyncset.done $0x0  }
0xb3: {  	s4 =	sadd.s32 s7, s17;
	[sflag:s21] =	ssyncadd.s32 $0xFFFFEC00  }
0xb4: {  	[tilespmem:s22], [sflag:$0x2] =	stream.linear.gather [hbm4b:s4+s10], $0x28, $0x38;
	[tilespmem:$0x19780] =	vst v63  }
0xb5: {  	s17 =	sadd.s32 s8, s17  }
0xb6: {  	[tilespmem:s23], [sflag:$0x4] =	stream.linear.gather [hbm4b:s17+s10], $0x28, $0x38;
	[tilespmem:$0x19780] =	vst v63  }
0xb7: {  	s17 =	sshll.u32 s9, $0x4  }
0xb8: {  	s4 =	sadd.s32 s6, s17  }
0xb9: {  	[tilespmem:s24], [sflag:$0x6] =	stream.linear.gather [hbm4b:s4+s10], $0x1400, $0x38;
	[tilespmem:$0x19780] =	vst v63  }
0xba: {  	_ =	swait.ge [sflag:s26], $0x1400  }
0xbb: {  	[sflag:s26] =	ssyncset.done $0x0  }
0xbc: {  	[sflag:s26] =	ssyncadd.s32 $0xFFFFEC00  }
0xbd: {  	_ =	swait.ge [sflag:s28], $0x28  }
0xbe: {  	[sflag:s28] =	ssyncset.done $0x0  }
0xbf: {  	s9 =	simm.s32 $0x0;
	[sflag:s28] =	ssyncadd.s32 $0xFFFFFFD8  }
0xc0: {  	[tilespmem:s29], [sflag:$0x8] =	stream.indirect.gather [hbm4b:s1+s19], $0x80, s22, s19, $0xb8;
	[tilespmem:$0x19780] =	vst v63  }
0xc1: {  	v8 =	vld [tilespmem:s9+$0x2A00]  }
0xc2: {  	v13 =	vld [tilespmem:s9+$0x2A10]  }
0xc3: {  	v7 =	vld [tilespmem:s9+$0x2A20]  }
0xc4: {  	v6 =	vld [tilespmem:s9+$0x2A30]  }
0xc5: {  	v5 =	vld [tilespmem:s9+$0x2A40]  }
0xc6: {  	v4 =	vld [tilespmem:s9+$0x2A50]  }
0xc7: {  	v3 =	vld [tilespmem:s9+$0x2A60]  }
0xc8: {  	v2 =	vld [tilespmem:s9+$0x2A70]  }
0xc9: {  	v14 =	vld [tilespmem:s9+$0x200]  }
0xca: {  	v15 =	vld [tilespmem:s9+$0x210]  }
0xcb: {  	v12 =	vld [tilespmem:s9+$0x220]  }
0xcc: {  	v11 =	vld [tilespmem:s9+$0x230]  }
0xcd: {  	v10 =	vld [tilespmem:s9+$0x240]  }
0xce: {  	v9 =	vld [tilespmem:s9+$0x250];
	v14 =	vadd.f32 v8, v14  }
0xcf: {  	s17 =	simm.s32 $0x200;
	v13 =	vadd.f32 v13, v15;
	v8 =	vld [tilespmem:s9+$0x260]  }
.LBB2_5:
0xd0: {  	s4 =	sshra.s32 s17, $0x2;
	p0 =	sne.s32 s17, $0x4E00;
	v14 =	vmax.f32 v14, $0.0e+00;
	v7 =	vadd.f32 v7, v12;
	v12 =	vld [tilespmem:s9+$0x270]  }
0xd1: {  	v15 =	vld [tilespmem:s4+$0x2A00];
	[tilespmem:s9+$0x200] =	vst v14;
	v13 =	vmax.f32 v13, $0.0e+00;
	v6 =	vadd.f32 v6, v11  }
0xd2: {  	v16 =	vld [tilespmem:s4+$0x2A10];
	[tilespmem:s9+$0x210] =	vst v13;
	v11 =	vmax.f32 v7, $0.0e+00;
	v5 =	vadd.f32 v5, v10  }
0xd3: {  	v7 =	vld [tilespmem:s4+$0x2A20];
	[tilespmem:s9+$0x220] =	vst v11;
	v10 =	vmax.f32 v6, $0.0e+00;
	v4 =	vadd.f32 v4, v9  }
0xd4: {  	v6 =	vld [tilespmem:s4+$0x2A30];
	[tilespmem:s9+$0x230] =	vst v10;
	v9 =	vmax.f32 v5, $0.0e+00;
	v3 =	vadd.f32 v3, v8  }
0xd5: {  	v5 =	vld [tilespmem:s4+$0x2A40];
	[tilespmem:s9+$0x240] =	vst v9;
	v8 =	vmax.f32 v4, $0.0e+00;
	v2 =	vadd.f32 v2, v12  }
0xd6: {  	v4 =	vld [tilespmem:s4+$0x2A50];
	[tilespmem:s9+$0x250] =	vst v8;
	v8 =	vmax.f32 v3, $0.0e+00  }
0xd7: {  	v3 =	vld [tilespmem:s4+$0x2A60];
	[tilespmem:s9+$0x260] =	vst v8;
	v8 =	vmax.f32 v2, $0.0e+00  }
0xd8: {  	v2 =	vld [tilespmem:s4+$0x2A70];
	[tilespmem:s9+$0x270] =	vst v8;
	s9 =	smov.u32 s4  }
0xd9: {  	v8 =	vld [tilespmem:s9+$0x200]  }
0xda: {  	v13 =	vld [tilespmem:s9+$0x210]  }
.Ltmp1:
0xdb: {  	v12 =	vld [tilespmem:s9+$0x220];
	(pc) =	sbr.rel @p0 .LBB2_5-.Ltmp1, $4  }
0xdc: {  	v11 =	vld [tilespmem:s9+$0x230]  }
0xdd: {  	v10 =	vld [tilespmem:s9+$0x240]  }
0xde: {  	v14 =	vadd.f32 v15, v8;
	v9 =	vld [tilespmem:s9+$0x250]  }
0xdf: {  	s17 =	sadd.s32 $0x200, s17;
	v13 =	vadd.f32 v16, v13;
	v8 =	vld [tilespmem:s9+$0x260]  }
0xe0: {  	v14 =	vmax.f32 v14, $0.0e+00;
	v7 =	vadd.f32 v7, v12;
	v12 =	vld [tilespmem:s9+$0x270]  }
0xe1: {  	[tilespmem:s9+$0x200] =	vst v14;
	v13 =	vmax.f32 v13, $0.0e+00;
	v6 =	vadd.f32 v6, v11  }
0xe2: {  	[tilespmem:s9+$0x210] =	vst v13;
	v7 =	vmax.f32 v7, $0.0e+00;
	v5 =	vadd.f32 v5, v10  }
0xe3: {  	[tilespmem:s9+$0x220] =	vst v7;
	v6 =	vmax.f32 v6, $0.0e+00;
	v4 =	vadd.f32 v4, v9  }
0xe4: {  	[tilespmem:s9+$0x230] =	vst v6;
	v5 =	vmax.f32 v5, $0.0e+00;
	v3 =	vadd.f32 v3, v8  }
0xe5: {  	[tilespmem:s9+$0x240] =	vst v5;
	v4 =	vmax.f32 v4, $0.0e+00;
	v2 =	vadd.f32 v2, v12  }
0xe6: {  	[tilespmem:s9+$0x250] =	vst v4;
	v3 =	vmax.f32 v3, $0.0e+00  }
0xe7: {  	[tilespmem:s9+$0x260] =	vst v3;
	v2 =	vmax.f32 v2, $0.0e+00  }
0xe8: {  	[tilespmem:s9+$0x270] =	vst v2  }
0xe9: {  	[spmem:s2] =	stream.indirect.scatter.add.f32 [tilespmem:s11], [sflag:$0x9], $0x80, s16, s19, $0xb8;
	[tilespmem:$0x19780] =	vst v63  }
0xea: {  	_ =	swait.ge [sflag:s12], $0x1400  }
0xeb: {  	[sflag:s12] =	ssyncset.done $0x0  }
0xec: {  	[sflag:s12] =	ssyncadd.s32 $0xFFFFEC00  }
0xed: {  	[spmem:s3] =	stream.indirect.scatter.add.f32 [tilespmem:s30], [sflag:$0x9], $0x1, s16, s19, $0xb8;
	[tilespmem:$0x19780] =	vst v63  }
0xee: {  	_ =	swait.ge [sflag:s12], $0x28  }
0xef: {  	[sflag:s12] =	ssyncset.done $0x0  }
0xf0: {  	[sflag:s12] =	ssyncadd.s32 $0xFFFFFFD8  }
0xf1: {  	_ =	swait.ge [sflag:s31], $0x28  }
0xf2: {  	[sflag:s31] =	ssyncset.done $0x0  }
0xf3: {  	p0 =	sne.s32 s15, $0x7C;
	[sflag:s31] =	ssyncadd.s32 $0xFFFFFFD8  }
0xf4: {  	s4 =	sadd.s32 @p0 s18, s14;
	_ =	swait.ge [sflag:s0], $0x1400  }
0xf5: {  	s9 =	sshrl.u32 @p0 s4, $0x3;
	[sflag:s0] =	ssyncset.done $0x0  }
0xf6: {  	s18 =	simm.s32 @p0 $0x0;
	s17 =	sadd.s32 @p0 s7, s9;
	[sflag:s0] =	ssyncadd.s32 $0xFFFFEC00  }
0xf7: {  	[tilespmem:s18], [sflag:$0x1] =	stream.linear.gather @p0 [hbm4b:s17+s18], $0x28, $0x38;
	[tilespmem:$0x19780] =	vst v63  }
0xf8: {  	s4 =	sshll.u32 @p0 s4, $0x4;
	s9 =	sadd.s32 @p0 s8, s9;
	s17 =	simm.s32 @p0 $0x100  }
0xf9: {  	[tilespmem:s17], [sflag:$0x3] =	stream.linear.gather @p0 [hbm4b:s9+s18], $0x28, $0x38;
	[tilespmem:$0x19780] =	vst v63  }
0xfa: {  	s4 =	sadd.s32 @p0 s6, s4;
	s9 =	simm.s32 @p0 $0x2A00  }
0xfb: {  	[tilespmem:s9], [sflag:$0x5] =	stream.linear.gather @p0 [hbm4b:s4+s18], $0x1400, $0x38;
	[tilespmem:$0x19780] =	vst v63  }
0xfc: {  	s4 =	simm.s32 @p0 $0x8  }
0xfd: {  	_ =	swait.ge @p0 [sflag:s4], $0x1400  }
0xfe: {  	[sflag:s4] =	ssyncset.done @p0 $0x0  }
0xff: {  	[sflag:s4] =	ssyncadd.s32 @p0 $0xFFFFEC00;
	s4 =	simm.s32 @p0 $0x1  }
0x100: {  	_ =	swait.ge @p0 [sflag:s4], $0x28  }
0x101: {  	[sflag:s4] =	ssyncset.done @p0 $0x0  }
0x102: {  	s9 =	simm.s32 @p0 $0x200;
	[sflag:s4] =	ssyncadd.s32 @p0 $0xFFFFFFD8;
	s4 =	simm.s32 @p0 $0x28  }
0x103: {  	[tilespmem:s9], [sflag:$0x7] =	stream.indirect.gather @p0 [hbm4b:s1+s4], $0x80, s18, s4, $0xb8;
	[tilespmem:$0x19780] =	vst v63  }
0x104: {  	s4 =	simm.s32 @!p0 $0x8  }
0x105: {  	_ =	swait.ge @!p0 [sflag:s4], $0x1400  }
0x106: {  	[sflag:s4] =	ssyncset.done @!p0 $0x0  }
0x107: {  	s9 =	simm.s32 $0x0;
	[sflag:s4] =	ssyncadd.s32 @!p0 $0xFFFFEC00  }
0x108: {  	v8 =	vld [tilespmem:s9+$0x3E00]  }
0x109: {  	v13 =	vld [tilespmem:s9+$0x3E10]  }
0x10a: {  	v7 =	vld [tilespmem:s9+$0x3E20]  }
0x10b: {  	v6 =	vld [tilespmem:s9+$0x3E30]  }
0x10c: {  	v5 =	vld [tilespmem:s9+$0x3E40]  }
0x10d: {  	v4 =	vld [tilespmem:s9+$0x3E50]  }
0x10e: {  	v3 =	vld [tilespmem:s9+$0x3E60]  }
0x10f: {  	v2 =	vld [tilespmem:s9+$0x3E70]  }
0x110: {  	v14 =	vld [tilespmem:s9+$0x1600]  }
0x111: {  	v15 =	vld [tilespmem:s9+$0x1610]  }
0x112: {  	v12 =	vld [tilespmem:s9+$0x1620]  }
0x113: {  	v11 =	vld [tilespmem:s9+$0x1630]  }
0x114: {  	v10 =	vld [tilespmem:s9+$0x1640]  }
0x115: {  	v9 =	vld [tilespmem:s9+$0x1650];
	v14 =	vadd.f32 v8, v14  }
0x116: {  	s17 =	simm.s32 $0x200;
	v13 =	vadd.f32 v13, v15;
	v8 =	vld [tilespmem:s9+$0x1660]  }
.LBB2_7:
0x117: {  	s4 =	sshra.s32 s17, $0x2;
	p0 =	sne.s32 s17, $0x4E00;
	v14 =	vmax.f32 v14, $0.0e+00;
	v7 =	vadd.f32 v7, v12;
	v12 =	vld [tilespmem:s9+$0x1670]  }
0x118: {  	v15 =	vld [tilespmem:s4+$0x3E00];
	[tilespmem:s9+$0x1600] =	vst v14;
	v13 =	vmax.f32 v13, $0.0e+00;
	v6 =	vadd.f32 v6, v11  }
0x119: {  	v16 =	vld [tilespmem:s4+$0x3E10];
	[tilespmem:s9+$0x1610] =	vst v13;
	v11 =	vmax.f32 v7, $0.0e+00;
	v5 =	vadd.f32 v5, v10  }
0x11a: {  	v7 =	vld [tilespmem:s4+$0x3E20];
	[tilespmem:s9+$0x1620] =	vst v11;
	v10 =	vmax.f32 v6, $0.0e+00;
	v4 =	vadd.f32 v4, v9  }
0x11b: {  	v6 =	vld [tilespmem:s4+$0x3E30];
	[tilespmem:s9+$0x1630] =	vst v10;
	v9 =	vmax.f32 v5, $0.0e+00;
	v3 =	vadd.f32 v3, v8  }
0x11c: {  	v5 =	vld [tilespmem:s4+$0x3E40];
	[tilespmem:s9+$0x1640] =	vst v9;
	v8 =	vmax.f32 v4, $0.0e+00;
	v2 =	vadd.f32 v2, v12  }
0x11d: {  	v4 =	vld [tilespmem:s4+$0x3E50];
	[tilespmem:s9+$0x1650] =	vst v8;
	v8 =	vmax.f32 v3, $0.0e+00  }
0x11e: {  	v3 =	vld [tilespmem:s4+$0x3E60];
	[tilespmem:s9+$0x1660] =	vst v8;
	v8 =	vmax.f32 v2, $0.0e+00  }
0x11f: {  	v2 =	vld [tilespmem:s4+$0x3E70];
	[tilespmem:s9+$0x1670] =	vst v8;
	s9 =	smov.u32 s4  }
0x120: {  	v8 =	vld [tilespmem:s9+$0x1600]  }
0x121: {  	v13 =	vld [tilespmem:s9+$0x1610]  }
.Ltmp2:
0x122: {  	v12 =	vld [tilespmem:s9+$0x1620];
	(pc) =	sbr.rel @p0 .LBB2_7-.Ltmp2, $4  }
0x123: {  	v11 =	vld [tilespmem:s9+$0x1630]  }
0x124: {  	v10 =	vld [tilespmem:s9+$0x1640]  }
0x125: {  	v14 =	vadd.f32 v15, v8;
	v9 =	vld [tilespmem:s9+$0x1650]  }
0x126: {  	s17 =	sadd.s32 $0x200, s17;
	v13 =	vadd.f32 v16, v13;
	v8 =	vld [tilespmem:s9+$0x1660]  }
0x127: {  	v14 =	vmax.f32 v14, $0.0e+00;
	v7 =	vadd.f32 v7, v12;
	v63 =	vld [tilespmem:s9+$0x1670]  }
0x128: {  	[tilespmem:s9+$0x1600] =	vst v14;
	v13 =	vmax.f32 v13, $0.0e+00;
	v6 =	vadd.f32 v6, v11  }
0x129: {  	[tilespmem:s9+$0x1610] =	vst v13;
	v7 =	vmax.f32 v7, $0.0e+00;
	v5 =	vadd.f32 v5, v10  }
0x12a: {  	[tilespmem:s9+$0x1620] =	vst v7;
	v6 =	vmax.f32 v6, $0.0e+00;
	v4 =	vadd.f32 v4, v9  }
0x12b: {  	[tilespmem:s9+$0x1630] =	vst v6;
	v5 =	vmax.f32 v5, $0.0e+00;
	v3 =	vadd.f32 v3, v8  }
0x12c: {  	[tilespmem:s9+$0x1640] =	vst v5;
	v4 =	vmax.f32 v4, $0.0e+00;
	v2 =	vadd.f32 v2, v63  }
0x12d: {  	[tilespmem:s9+$0x1650] =	vst v4;
	v3 =	vmax.f32 v3, $0.0e+00  }
0x12e: {  	[tilespmem:s9+$0x1660] =	vst v3;
	v2 =	vmax.f32 v2, $0.0e+00  }
0x12f: {  	[tilespmem:s9+$0x1670] =	vst v2  }
0x130: {  	[spmem:s2] =	stream.indirect.scatter.add.f32 [tilespmem:s29], [sflag:$0x9], $0x80, s23, s19, $0xb8;
	[tilespmem:$0x19780] =	vst v63  }
0x131: {  	s15 =	sadd.s32 $0x1, s15;
	_ =	swait.ge [sflag:s12], $0x1400  }
0x132: {  	p0 =	sne.s32 s15, $0x7D;
	[sflag:s12] =	ssyncset.done $0x0  }
.Ltmp3:
0x133: {  	[sflag:s12] =	ssyncadd.s32 $0xFFFFEC00;
	(pc) =	sbr.rel @p0 .LBB2_4-.Ltmp3, $4  }
0x134: {  	[spmem:s3] =	stream.indirect.scatter.add.f32 [tilespmem:s30], [sflag:$0x9], $0x1, s23, s19, $0xb8;
	[tilespmem:$0x19780] =	vst v63  }
0x135: {  	_ =	swait.ge [sflag:s12], $0x28  }
0x136: {  	[sflag:s12] =	ssyncset.done $0x0  }
0x137: {  	[sflag:s12] =	ssyncadd.s32 $0xFFFFFFD8  }
0x138: {  	[bflag:$0x0] =	sbarrier.arrive $0xFFFF  }
0x139: {  	s18 =	rddreg [dreg:$0xb]  }
0x13a: {  	[tilespmem:s11], [sflag:$0x9] =	stream.linear.gather [spmem:s18], $0x1400, $0x38;
	[tilespmem:$0x19780] =	vst v63  }
0x13b: {  	_ =	swait.ge [sflag:s12], $0x1400  }
0x13c: {  	[sflag:s12] =	ssyncset.done $0x0  }
0x13d: {  	s4 =	sadd.s32 $0x0, s25;
	[sflag:s12] =	ssyncadd.s32 $0xFFFFEC00  }
0x13e: {  	[hbm4b:s4+s5] =	stream.linear.scatter [tilespmem:s11], [sflag:$0x9], $0x1400, $0x38;
	[tilespmem:$0x19780] =	vst v63  }
0x13f: {  	_ =	swait.ge [sflag:s12], $0x1400  }
0x140: {  	s9 =	simm.s32 $0x280;
	s10 =	smov.u32 s18;
	[sflag:s12] =	ssyncset.done $0x0  }
.LBB2_10:
0x141: {  	p0 =	sne.s32 s9, $0x2580;
	[sflag:s12] =	ssyncadd.s32 $0xFFFFEC00;
	s10 =	sadd.s32 $0x1400, s10  }
0x142: {  	[tilespmem:s11], [sflag:$0x9] =	stream.linear.gather [spmem:s10], $0x1400, $0x38;
	[tilespmem:$0x19780] =	vst v63  }
0x143: {  	s4 =	smov.u32 s9;
	s9 =	sadd.s32 $0x280, s9;
	_ =	swait.ge [sflag:s12], $0x1400  }
.Ltmp4:
0x144: {  	[sflag:s12] =	ssyncset.done $0x0;
	(pc) =	sbr.rel @p0 .LBB2_10-.Ltmp4, $4  }
0x145: {  	s4 =	sadd.s32 s4, s25;
	[sflag:s12] =	ssyncadd.s32 $0xFFFFEC00  }
0x146: {  	[hbm4b:s4+s5] =	stream.linear.scatter [tilespmem:s11], [sflag:$0x9], $0x1400, $0x38;
	[tilespmem:$0x19780] =	vst v63  }
0x147: {  	_ =	swait.ge [sflag:s12], $0x1400  }
0x148: {  	[sflag:s12] =	ssyncset.done $0x0  }
0x149: {  	[sflag:s12] =	ssyncadd.s32 $0xFFFFEC00;
	s17 =	rddreg [dreg:$0x5];
	s15 =	simm.s32 $0x5280  }
0x14a: {  	[tilespmem:s15], [sflag:$0x9] =	stream.linear.gather [spmem:s17], $0x280, $0x38;
	[tilespmem:$0x19780] =	vst v63  }
0x14b: {  	_ =	swait.ge [sflag:s12], $0x280  }
0x14c: {  	[sflag:s12] =	ssyncset.done $0x0  }
0x14d: {  	s4 =	rddreg [dreg:$0x9];
	[sflag:s12] =	ssyncadd.s32 $0xFFFFFD80  }
0x14e: {  	[hbm4b:s4+s5] =	stream.linear.scatter [tilespmem:s15], [sflag:$0x9], $0x280, $0x38;
	[tilespmem:$0x19780] =	vst v63  }
0x14f: {  	_ =	swait.ge [sflag:s12], $0x280  }
0x150: {  	s9 =	rddreg [dreg:$0x1b]  }
0x151: {  	s10 =	rddreg [dreg:$0xa];
	s9 =	sadd.s32 $0x1, s9  }
0x152: {  	p0 =	sne.s32 s9, s10  }
.Ltmp5:
0x153: {  	_ = 	snop;
	(pc) =	sbr.rel @p0 .LBB2_1-.Ltmp5, $3  }
0x154: {  	_ =	sdelay $0x1  }
0x155: {  	[sflag:s12] =	ssyncset.done $0x0  }
0x156: {  	[sflag:s12] =	ssyncadd.s32 $0xFFFFFD80  }
0x157: {  	_ =	sfence.sel $0x180000  }
0x158: {  	[bflag:$0x0] =	sbarrier.arrive $0xFFFF  }
0x159: {  	_ =	strace $0x90000047  }
0x15a: {  	s0 =	stileid.u32;
	[bflag:$0x2] =	sbarrier.arrive $0xFFFF  }
0x15b: {  	p0 =	sne.s32 s0, $0x0;
	s0 =	rddreg [dreg:$0x4]  }
0x15c: {  	s0 =	sadd.s32 @!p0 $0x100000, s0  }
0x15d: {  	[sflag:s0] =	ssyncadd.tile.s32 @!p0 $0x1;
	_ =	shalt  }
.Lfunc_end2:
_tile_overlayer_lowered:
.L_overlay_start_2:
0x15e: {  	(tag) =	ssettag $0x2  }
0x15f: {  	s0 =	rddreg [dreg:$0x0];
	s2 =	stileid.u32  }
0x160: {  	s1 =	rddreg [dreg:$0x1];
	p0 =	sne.s32 s2, $0x0  }
0x161: {  	s3 =	rddreg [dreg:$0x2];
	[bflag:$0x3] =	sbarrier.arrive $0xFFFF;
	s2 =	simm.s32 @!p0 $0x1C09  }
0x162: {  	[timem:s3], [sflag:s2] =	dma.local @!p0 [hbm:s0], s1  }
0x163: {  	s0 =	simm.s32 @!p0 $0x9  }
0x164: {  	_ =	swait.ge @!p0 [sflag:s0], s1  }
0x165: {  	s1 =	ssub.s32 @!p0 $0x0, s1;
	[sflag:s0] =	ssyncset.done @!p0 $0x0  }
0x166: {  	[sflag:s0] =	ssyncadd.s32 @!p0 s1  }
0x167: {  	[bflag:$0x3] =	sbarrier.arrive $0xFFFF  }
0x168: {  	_ =	shalt  }

</sc_bundles>
